<compile_context>
chip_gen: v7x
topology: tpu7x:2x2x1
jax: 0.10.2.dev20260603
libtpu: 0.0.44.dev20260713+nightly
codegen_flags: <defaults>
</compile_context>

<pallas_src>
import functools

import jax
import jax.numpy as jnp
from jax import lax
from jax.experimental import pallas as pl
from jax.experimental.pallas import tpu as pltpu
from jax.experimental.pallas import tpu_sc as plsc

N = 100000
D = 128
B = 16384
IN_DIM = 192
NC, NS = 2, 16
NW = NC * NS
BPW = B // NW
NA = 25
R = N // NA
CH = 512
NLIST = 4096
WR = 160
WN = R // WR

_mesh = plsc.VectorSubcoreMesh(core_axis_name="c", subcore_axis_name="s")


@functools.partial(
    pl.kernel,
    out_type=jax.ShapeDtypeStruct((B, D), jnp.float32),
    mesh=_mesh,
    scratch_types=[
        pltpu.VMEM((BPW,), jnp.int32),
        pltpu.VMEM((BPW, D), jnp.float32),
        pltpu.SemaphoreType.DMA,
    ],
)
def _sc_gather(mem_hbm, ids_hbm, h_hbm, idx_v, rows_v, sem):
    wid = lax.axis_index("s") * NC + lax.axis_index("c")
    base = wid * BPW
    pltpu.sync_copy(ids_hbm.at[pl.ds(base, BPW)], idx_v)
    pltpu.async_copy(mem_hbm.at[idx_v], rows_v, sem).wait()
    pltpu.sync_copy(rows_v, h_hbm.at[pl.ds(base, BPW)])


@functools.partial(
    pl.kernel,
    out_type=(jax.ShapeDtypeStruct((NA * NLIST,), jnp.int32),
              jax.ShapeDtypeStruct((NA * NLIST,), jnp.int32),
              jax.ShapeDtypeStruct((NA * 16,), jnp.int32),
              jax.ShapeDtypeStruct((N,), jnp.float32)),
    mesh=_mesh,
    scratch_types=[
        pltpu.VMEM((B,), jnp.int32),
        pltpu.VMEM((B,), jnp.float32),
        pltpu.VMEM((R,), jnp.int32),
        pltpu.VMEM((NLIST,), jnp.int32),
        pltpu.VMEM((NLIST,), jnp.int32),
        pltpu.VMEM((R,), jnp.float32),
        pltpu.VMEM((16,), jnp.int32),
        pltpu.SemaphoreType.DMA,
        pltpu.SemaphoreType.DMA,
        pltpu.SemaphoreType.DMA,
    ],
    compiler_params=pltpu.CompilerParams(needs_layout_passes=False),
)
def _sc_plan(ids, ts, lu, out_nodes, out_wins, out_counts, out_lu,
             ids_v, ts_v, win_v, nodes_l, win_l, luv, cnt_v,
             sem_ids, sem_ts, sem_lu):
    wid = lax.axis_index("s") * NC + lax.axis_index("c")

    @pl.when(wid < NA)
    def _active():
        nbase = wid * R
        iota16 = lax.iota(jnp.int32, 16)

        cp_ids = pltpu.async_copy(ids, ids_v, sem_ids)
        cp_ts = pltpu.async_copy(ts, ts_v, sem_ts)
        cp_lu = pltpu.async_copy(lu.at[pl.ds(nbase, R)], luv, sem_lu)
        cp_ids.wait()

        neg1 = jnp.full((16,), -1, jnp.int32)

        def _init(i, _):
            win_v[pl.ds(i * 16, 16)] = neg1
            return 0
        lax.fori_loop(0, R // 16, _init, 0)

        def _scan(j, _):
            ids16 = ids_v[pl.ds(j * 16, 16)]
            batch = j * 16 + iota16
            _, islast = plsc.scan_count(ids16)
            loc = ids16 - nbase
            m1 = islast & (loc >= 0) & (loc < R)
            plsc.store_scatter(win_v, [jnp.clip(loc, 0, R - 1)], batch,
                               mask=m1)
            return 0
        lax.fori_loop(0, B // 16, _scan, 0)

        def _comp(i, cnt):
            w16 = win_v[pl.ds(i * 16, 16)]
            m = w16 >= 0
            n16 = nbase + i * 16 + iota16
            plsc.store_compressed(nodes_l.at[pl.ds(cnt, 16)], n16, mask=m)
            plsc.store_compressed(win_l.at[pl.ds(cnt, 16)], w16, mask=m)
            return cnt + jnp.max(plsc.all_reduce_population_count(m))
        cnt = lax.fori_loop(0, R // 16, _comp, jnp.int32(0))

        cp_ts.wait()
        cp_lu.wait()

        def _blend(i, _):
            w16 = win_v[pl.ds(i * 16, 16)]
            m = w16 >= 0
            tsv = plsc.load_gather(ts_v, [jnp.maximum(w16, 0)])
            cur = luv[pl.ds(i * 16, 16)]
            luv[pl.ds(i * 16, 16)] = jnp.where(m, tsv, cur)
            return 0
        lax.fori_loop(0, R // 16, _blend, 0)
        pltpu.sync_copy(luv, out_lu.at[pl.ds(nbase, R)])

        zero16 = jnp.zeros((16,), jnp.int32)
        padn = nodes_l[pl.ds(0, 16)].at[zero16].get(mode="promise_in_bounds")
        padw = win_l[pl.ds(0, 16)].at[zero16].get(mode="promise_in_bounds")
        npad = ((cnt + CH - 1) // CH) * CH

        def _pad(j, _):
            keep = (j * 16 + iota16) < cnt
            nodes_l[pl.ds(j * 16, 16)] = jnp.where(
                keep, nodes_l[pl.ds(j * 16, 16)], padn)
            win_l[pl.ds(j * 16, 16)] = jnp.where(
                keep, win_l[pl.ds(j * 16, 16)], padw)
            return 0
        lax.fori_loop(cnt // 16, npad // 16, _pad, 0)

        cnt_v[pl.ds(0, 16)] = jnp.full((16,), 1, jnp.int32) * cnt
        pltpu.sync_copy(cnt_v, out_counts.at[pl.ds(wid * 16, 16)])
        pltpu.sync_copy(nodes_l, out_nodes.at[pl.ds(wid * NLIST, NLIST)])
        pltpu.sync_copy(win_l, out_wins.at[pl.ds(wid * NLIST, NLIST)])


@functools.partial(
    pl.kernel,
    out_type=(),
    mesh=_mesh,
    scratch_types=[
        pltpu.VMEM((NLIST,), jnp.int32),
        pltpu.VMEM((NLIST,), jnp.int32),
        pltpu.VMEM((16,), jnp.int32),
        pltpu.VMEM((CH,), jnp.int32),
        pltpu.VMEM((CH,), jnp.int32),
        pltpu.VMEM((CH, D), jnp.float32),
        pltpu.SemaphoreType.DMA,
        pltpu.SemaphoreType.DMA,
        pltpu.SemaphoreType.DMA,
        pltpu.SemaphoreType.DMA,
        pltpu.SemaphoreType.DMA,
    ],
    compiler_params=pltpu.CompilerParams(needs_layout_passes=False),
)
def _sc_scatter(upd, nodes, wins, counts, out_mem,
                nodes_l, win_l, cnt_v, wchunk, nchunk, rowbuf,
                sem_n, sem_w, sem_c, sem_g, sem_s):
    wid = lax.axis_index("s") * NC + lax.axis_index("c")

    @pl.when(wid < NA)
    def _active():
        cp_n = pltpu.async_copy(nodes.at[pl.ds(wid * NLIST, NLIST)],
                                nodes_l, sem_n)
        cp_w = pltpu.async_copy(wins.at[pl.ds(wid * NLIST, NLIST)],
                                win_l, sem_w)
        cp_c = pltpu.async_copy(counts.at[pl.ds(wid * 16, 16)], cnt_v,
                                sem_c)
        cp_n.wait()
        cp_w.wait()
        cp_c.wait()
        cnt = jnp.max(cnt_v[pl.ds(0, 16)])
        npad = ((cnt + CH - 1) // CH) * CH

        def _chunk(k, _):
            off = k * CH
            pltpu.async_copy(upd.at[win_l.at[pl.ds(off, CH)]], rowbuf,
                             sem_g).wait()
            pltpu.async_copy(rowbuf, out_mem.at[nodes_l.at[pl.ds(off, CH)]],
                             sem_s).wait()
            return 0

        @pl.when(cnt > 0)
        def _scatter_phase():
            lax.fori_loop(0, npad // CH, _chunk, 0)


def _gru_body(x_ref, h_ref, wih_ref, whh_ref, bih_ref, bhh_ref, out_ref):
    x = x_ref[...]
    h = h_ref[...]
    gi = jnp.dot(x, wih_ref[...], preferred_element_type=jnp.float32)
    gh = jnp.dot(h, whh_ref[...], preferred_element_type=jnp.float32)
    gi = gi + bih_ref[...]
    gh = gh + bhh_ref[...]
    r = jax.nn.sigmoid(gi[:, :D] + gh[:, :D])
    z = jax.nn.sigmoid(gi[:, D:2 * D] + gh[:, D:2 * D])
    n = jnp.tanh(gi[:, 2 * D:] + r * gh[:, 2 * D:])
    out_ref[...] = (1.0 - z) * n + z * h


_RB = 2048


def _gru(messages, h, W_ihT, W_hhT, b_ih2, b_hh2):
    return pl.pallas_call(
        _gru_body,
        grid=(B // _RB,),
        in_specs=[
            pl.BlockSpec((_RB, IN_DIM), lambda i: (i, 0)),
            pl.BlockSpec((_RB, D), lambda i: (i, 0)),
            pl.BlockSpec((IN_DIM, 3 * D), lambda i: (0, 0)),
            pl.BlockSpec((D, 3 * D), lambda i: (0, 0)),
            pl.BlockSpec((1, 3 * D), lambda i: (0, 0)),
            pl.BlockSpec((1, 3 * D), lambda i: (0, 0)),
        ],
        out_specs=pl.BlockSpec((_RB, D), lambda i: (i, 0)),
        out_shape=jax.ShapeDtypeStruct((B, D), jnp.float32),
    )(messages, h, W_ihT, W_hhT, b_ih2, b_hh2)


def kernel(node_ids, messages, timestamps, memory, last_update, W_ih, W_hh, b_ih, b_hh):
    ids = node_ids.astype(jnp.int32)
    h = _sc_gather(memory, ids)
    plan_nodes, plan_wins, plan_counts, new_last_update = _sc_plan(
        ids, timestamps, last_update)
    updated = _gru(messages, h, W_ih.T, W_hh.T,
                   b_ih.reshape(1, -1), b_hh.reshape(1, -1))
    out_mem_ref = jax.new_ref(memory)
    _sc_scatter(updated, plan_nodes, plan_wins, plan_counts, out_mem_ref)
    new_memory = out_mem_ref[...]
    return new_memory, new_last_update

# --- scband reference (transcript-rebuilt; emitter-appended) ---
"""Pipeline reference for scband-memory-module-81570018885819 (READ-ONLY COPY).

The authoritative reference and input builder live on the scoring server;
editing this copy changes nothing except your own understanding.
"""

import jax, jax.numpy as jnp
import numpy as np

NUM_NODES = 100000
MEMORY_DIM = 128
MESSAGE_DIM = 128
TIME_DIM = 64
INPUT_DIM = MESSAGE_DIM + TIME_DIM
B = 16384


def setup_inputs(seed: int = 0) -> dict:
    key = jax.random.key(seed)
    ks = jax.random.split(key, 9)
    node_ids = jax.random.randint(ks[0], (B,), 0, NUM_NODES, dtype=jnp.int64 if jax.config.jax_enable_x64 else jnp.int32)
    messages = jax.random.normal(ks[1], (B, INPUT_DIM), dtype=jnp.float32)
    timestamps = jax.random.uniform(ks[2], (B,), dtype=jnp.float32) * 1000.0
    # buffers (registered buffers in torch; init to zeros there, use small randn for a nontrivial state)
    memory = jax.random.normal(ks[3], (NUM_NODES, MEMORY_DIM), dtype=jnp.float32) * 0.1
    last_update = jnp.zeros((NUM_NODES,), dtype=jnp.float32)
    # GRUCell parameters (torch layout: weight_ih [3H, I], weight_hh [3H, H], biases [3H])
    s = 1.0 / np.sqrt(MEMORY_DIM)
    W_ih = jax.random.uniform(ks[4], (3 * MEMORY_DIM, INPUT_DIM), dtype=jnp.float32, minval=-s, maxval=s)
    W_hh = jax.random.uniform(ks[5], (3 * MEMORY_DIM, MEMORY_DIM), dtype=jnp.float32, minval=-s, maxval=s)
    b_ih = jax.random.uniform(ks[6], (3 * MEMORY_DIM,), dtype=jnp.float32, minval=-s, maxval=s)
    b_hh = jax.random.uniform(ks[7], (3 * MEMORY_DIM,), dtype=jnp.float32, minval=-s, maxval=s)
    return {
        'node_ids': node_ids,
        'messages': messages,
        'timestamps': timestamps,
        'memory': memory,
        'last_update': last_update,
        'W_ih': W_ih,
        'W_hh': W_hh,
        'b_ih': b_ih,
        'b_hh': b_hh,
    }


def _gru_cell(x, h, W_ih, W_hh, b_ih, b_hh):
    # matches torch.nn.GRUCell semantics
    gi = x @ W_ih.T + b_ih
    gh = h @ W_hh.T + b_hh
    i_r, i_z, i_n = jnp.split(gi, 3, axis=1)
    h_r, h_z, h_n = jnp.split(gh, 3, axis=1)
    r = jax.nn.sigmoid(i_r + h_r)
    z = jax.nn.sigmoid(i_z + h_z)
    n = jnp.tanh(i_n + r * h_n)
    return (1.0 - z) * n + z * h


def reference(node_ids, messages, timestamps, memory, last_update, W_ih, W_hh, b_ih, b_hh):
    # MemoryModule.update_memory: gather -> GRUCell -> scatter-overwrite
    current_memory = jnp.take(memory, node_ids, axis=0)
    updated_memory = _gru_cell(messages, current_memory, W_ih, W_hh, b_ih, b_hh)
    new_memory = memory.at[node_ids].set(updated_memory)
    new_last_update = last_update.at[node_ids].set(timestamps)
    return new_memory, new_last_update

if __name__ == "__main__":
    import jax
    _d = setup_inputs()
    print(jax.jit(kernel)(*tuple(_d.values())))

</pallas_src>

<mosaic_0001>
#map = affine_map<(d0, d1) -> (0, 0)>
#map1 = affine_map<(d0, d1) -> (0)>
module attributes {stable_mosaic.version = 14 : i64} {
  func.func @_sc_gather(%arg0: i32, %arg1: i32, %arg2: memref<100000x128xf32, #tpu.memory_space<hbm>>, %arg3: memref<16384xi32, #tpu.memory_space<hbm>>, %arg4: memref<16384x128xf32, #tpu.memory_space<hbm>>, %arg5: memref<512xi32, #tpu.memory_space<vmem>>, %arg6: memref<512x128xf32, #tpu.memory_space<vmem>>, %arg7: memref<!tpu.dma_semaphore, #tpu.memory_space<semaphore_mem>>) attributes {dimension_semantics = [#tpu.dimension_semantics<core_parallel>, #tpu.dimension_semantics<subcore_parallel>], iteration_bounds = array<i64: 2, 16>, scalar_prefetch = 0 : i64, scratch_operands = 3 : i64, tpu.core_type = #tpu.core_type<sc_vector_subcore>, window_params = [{transform_indices = #map}, {transform_indices = #map1}, {transform_indices = #map}]} {
    %mul3A = arith.constant 2 : i32
    %mul3A_0 = arith.muli %arg1, %mul3A : i32
    %add3A = arith.addi %mul3A_0, %arg0 : i32
    %mul3A_1 = arith.constant 512 : i32
    %mul3A_2 = arith.muli %add3A, %mul3A_1 : i32
    "tpu.region"() ({
      %run_scoped3A = tpu.sem_alloc : memref<!tpu.dma_semaphore, #tpu.memory_space<semaphore_mem>>
      %dma_start3A_7 = tpu.memref_slice %arg3[%mul3A_2] : memref<16384xi32, #tpu.memory_space<hbm>> -> memref<512xi32, #tpu.memory_space<hbm>>
      %dma_start3A_8 = tpu.memref_slice %arg3[%mul3A_2] : memref<16384xi32, #tpu.memory_space<hbm>> -> memref<512xi32, #tpu.memory_space<hbm>>
      tpu.enqueue_dma source(%dma_start3A_8 : memref<512xi32, #tpu.memory_space<hbm>>) target(%arg5 : memref<512xi32, #tpu.memory_space<vmem>>) target_semaphore(%run_scoped3A : memref<!tpu.dma_semaphore, #tpu.memory_space<semaphore_mem>>)
      %dma_wait3A_9 = tpu.memref_slice %arg3[%mul3A_2] : memref<16384xi32, #tpu.memory_space<hbm>> -> memref<512xi32, #tpu.memory_space<hbm>>
      %dma_wait3A_10 = tpu.memref_slice %arg3[%mul3A_2] : memref<16384xi32, #tpu.memory_space<hbm>> -> memref<512xi32, #tpu.memory_space<hbm>>
      tpu.wait_dma2 semaphore(%run_scoped3A : memref<!tpu.dma_semaphore, #tpu.memory_space<semaphore_mem>>) src(%dma_wait3A_10 : memref<512xi32, #tpu.memory_space<hbm>>) dst(%arg5 : memref<512xi32, #tpu.memory_space<vmem>>)
      tpu.yield
    }) : () -> ()
    %dma_start3A = arith.constant 0 : i32
    %dma_start3A_3 = arith.constant 0 : i32
    %dma_start3A_4 = tpu.memref_slice %arg2[%dma_start3A, %dma_start3A_3] : memref<100000x128xf32, #tpu.memory_space<hbm>> -> memref<100000x128xf32, #tpu.memory_space<hbm>>
    tpu.enqueue_indirect_dma source(%dma_start3A_4 : memref<100000x128xf32, #tpu.memory_space<hbm>>) target(%arg6 : memref<512x128xf32, #tpu.memory_space<vmem>>) offsets(%arg5 : memref<512xi32, #tpu.memory_space<vmem>>) semaphore(%arg7 : memref<!tpu.dma_semaphore, #tpu.memory_space<semaphore_mem>>)
    %dma_wait3A = arith.constant 0 : i32
    %dma_wait3A_5 = arith.constant 0 : i32
    %dma_wait3A_6 = tpu.memref_slice %arg2[%dma_wait3A, %dma_wait3A_5] : memref<100000x128xf32, #tpu.memory_space<hbm>> -> memref<100000x128xf32, #tpu.memory_space<hbm>>
    tpu.wait_indirect_dma semaphore(%arg7 : memref<!tpu.dma_semaphore, #tpu.memory_space<semaphore_mem>>) src(%dma_wait3A_6 : memref<100000x128xf32, #tpu.memory_space<hbm>>) dst(%arg6 : memref<512x128xf32, #tpu.memory_space<vmem>>)
    "tpu.region"() ({
      %run_scoped3A = tpu.sem_alloc : memref<!tpu.dma_semaphore, #tpu.memory_space<semaphore_mem>>
      %dma_start3A_7 = arith.constant 0 : i32
      %dma_start3A_8 = tpu.memref_slice %arg4[%mul3A_2, %dma_start3A_7] : memref<16384x128xf32, #tpu.memory_space<hbm>> -> memref<512x128xf32, #tpu.memory_space<hbm>>
      %dma_start3A_9 = arith.constant 0 : i32
      %dma_start3A_10 = tpu.memref_slice %arg4[%mul3A_2, %dma_start3A_9] : memref<16384x128xf32, #tpu.memory_space<hbm>> -> memref<512x128xf32, #tpu.memory_space<hbm>>
      tpu.enqueue_dma source(%arg6 : memref<512x128xf32, #tpu.memory_space<vmem>>) target(%dma_start3A_10 : memref<512x128xf32, #tpu.memory_space<hbm>>) target_semaphore(%run_scoped3A : memref<!tpu.dma_semaphore, #tpu.memory_space<semaphore_mem>>)
      %dma_wait3A_11 = arith.constant 0 : i32
      %dma_wait3A_12 = tpu.memref_slice %arg4[%mul3A_2, %dma_wait3A_11] : memref<16384x128xf32, #tpu.memory_space<hbm>> -> memref<512x128xf32, #tpu.memory_space<hbm>>
      %dma_wait3A_13 = arith.constant 0 : i32
      %dma_wait3A_14 = tpu.memref_slice %arg4[%mul3A_2, %dma_wait3A_13] : memref<16384x128xf32, #tpu.memory_space<hbm>> -> memref<512x128xf32, #tpu.memory_space<hbm>>
      tpu.wait_dma2 semaphore(%run_scoped3A : memref<!tpu.dma_semaphore, #tpu.memory_space<semaphore_mem>>) src(%arg6 : memref<512x128xf32, #tpu.memory_space<vmem>>) dst(%dma_wait3A_14 : memref<512x128xf32, #tpu.memory_space<hbm>>)
      tpu.yield
    }) : () -> ()
    return
  }
}

#map = affine_map<(d0, d1) -> (0)>
module attributes {stable_mosaic.version = 14 : i64} {
  func.func @_sc_plan(%arg0: i32, %arg1: i32, %arg2: memref<16384xi32, #tpu.memory_space<hbm>>, %arg3: memref<16384xf32, #tpu.memory_space<hbm>>, %arg4: memref<100000xf32, #tpu.memory_space<hbm>>, %arg5: memref<102400xi32, #tpu.memory_space<hbm>>, %arg6: memref<102400xi32, #tpu.memory_space<hbm>>, %arg7: memref<400xi32, #tpu.memory_space<hbm>>, %arg8: memref<100000xf32, #tpu.memory_space<hbm>>, %arg9: memref<16384xi32, #tpu.memory_space<vmem>>, %arg10: memref<16384xf32, #tpu.memory_space<vmem>>, %arg11: memref<4000xi32, #tpu.memory_space<vmem>>, %arg12: memref<4096xi32, #tpu.memory_space<vmem>>, %arg13: memref<4096xi32, #tpu.memory_space<vmem>>, %arg14: memref<4000xf32, #tpu.memory_space<vmem>>, %arg15: memref<16xi32, #tpu.memory_space<vmem>>, %arg16: memref<!tpu.dma_semaphore, #tpu.memory_space<semaphore_mem>>, %arg17: memref<!tpu.dma_semaphore, #tpu.memory_space<semaphore_mem>>, %arg18: memref<!tpu.dma_semaphore, #tpu.memory_space<semaphore_mem>>) attributes {dimension_semantics = [#tpu.dimension_semantics<core_parallel>, #tpu.dimension_semantics<subcore_parallel>], iteration_bounds = array<i64: 2, 16>, scalar_prefetch = 0 : i64, scratch_operands = 10 : i64, tpu.core_type = #tpu.core_type<sc_vector_subcore>, window_params = [{transform_indices = #map}, {transform_indices = #map}, {transform_indices = #map}, {transform_indices = #map}, {transform_indices = #map}, {transform_indices = #map}, {transform_indices = #map}]} {
    %mul3A = arith.constant 2 : i32
    %mul3A_0 = arith.muli %arg1, %mul3A : i32
    %add3A = arith.addi %mul3A_0, %arg0 : i32
    %lt3A = arith.constant 25 : i32
    %lt3A_1 = arith.cmpi slt, %add3A, %lt3A : i32
    %convert_element_type3A = arith.extui %lt3A_1 : i1 to i32
    %cond3A = arith.constant 0 : i32
    %cond3A_2 = arith.cmpi ne, %convert_element_type3A, %cond3A : i32
    scf.if %cond3A_2 {
      %mul3A_3 = arith.constant 4000 : i32
      %mul3A_4 = arith.muli %add3A, %mul3A_3 : i32
      %iota3A = tpu.iota {dimensions = array<i32: 0>} : vector<16xi32>
      tpu.enqueue_dma source(%arg2 : memref<16384xi32, #tpu.memory_space<hbm>>) target(%arg9 : memref<16384xi32, #tpu.memory_space<vmem>>) target_semaphore(%arg16 : memref<!tpu.dma_semaphore, #tpu.memory_space<semaphore_mem>>)
      tpu.enqueue_dma source(%arg3 : memref<16384xf32, #tpu.memory_space<hbm>>) target(%arg10 : memref<16384xf32, #tpu.memory_space<vmem>>) target_semaphore(%arg17 : memref<!tpu.dma_semaphore, #tpu.memory_space<semaphore_mem>>)
      %dma_start3A = tpu.memref_slice %arg4[%mul3A_4] : memref<100000xf32, #tpu.memory_space<hbm>> -> memref<4000xf32, #tpu.memory_space<hbm>>
      %dma_start3A_5 = tpu.memref_slice %arg4[%mul3A_4] : memref<100000xf32, #tpu.memory_space<hbm>> -> memref<4000xf32, #tpu.memory_space<hbm>>
      tpu.enqueue_dma source(%dma_start3A_5 : memref<4000xf32, #tpu.memory_space<hbm>>) target(%arg14 : memref<4000xf32, #tpu.memory_space<vmem>>) target_semaphore(%arg18 : memref<!tpu.dma_semaphore, #tpu.memory_space<semaphore_mem>>)
      tpu.wait_dma2 semaphore(%arg16 : memref<!tpu.dma_semaphore, #tpu.memory_space<semaphore_mem>>) src(%arg2 : memref<16384xi32, #tpu.memory_space<hbm>>) dst(%arg9 : memref<16384xi32, #tpu.memory_space<vmem>>)
      %broadcast_in_dim3A = arith.constant -1 : i32
      %broadcast_in_dim3A_6 = vector.broadcast %broadcast_in_dim3A : i32 to vector<16xi32>
      %scan3A = arith.constant 0 : i32
      %scan3A_7 = arith.constant 0 : i32
      %scan3A_8 = arith.constant 250 : i32
      %scan3A_9 = arith.addi %scan3A_7, %scan3A_8 : i32
      %scan3A_10 = arith.constant 1 : i32
      %scan3A_11 = scf.for %scan3A_150 = %scan3A_7 to %scan3A_9 step %scan3A_10 iter_args(%scan3A_151 = %scan3A) -> (i32)  : i32 {
        %mul3A_152 = arith.constant 16 : i32
        %mul3A_153 = arith.muli %scan3A_150, %mul3A_152 : i32
        %swap3A_154 = arith.index_cast %mul3A_153 : i32 to index
        %swap3A_155 = tpu.vector_load %arg11[%swap3A_154] {strides = array<i32>} : memref<4000xi32, #tpu.memory_space<vmem>>, vector<16xi32>,
        tpu.vector_store %arg11[%swap3A_154], %broadcast_in_dim3A_6 {strides = array<i32>} : memref<4000xi32, #tpu.memory_space<vmem>>, vector<16xi32>,
        %scan3A_156 = arith.constant 0 : i32
        scf.yield %scan3A_156 : i32
      }
      %scan3A_12 = arith.constant 250 : i32
      %scan3A_13 = arith.constant 0 : i32
      %scan3A_14 = arith.constant 0 : i32
      %scan3A_15 = arith.constant 1024 : i32
      %scan3A_16 = arith.addi %scan3A_14, %scan3A_15 : i32
      %scan3A_17 = arith.constant 1 : i32
      %scan3A_18 = scf.for %scan3A_150 = %scan3A_14 to %scan3A_16 step %scan3A_17 iter_args(%scan3A_151 = %scan3A_13) -> (i32)  : i32 {
        %mul3A_152 = arith.constant 16 : i32
        %mul3A_153 = arith.muli %scan3A_150, %mul3A_152 : i32
        %get3A_154 = arith.index_cast %mul3A_153 : i32 to index
        %get3A_155 = tpu.vector_load %arg9[%get3A_154] {strides = array<i32>} : memref<16384xi32, #tpu.memory_space<vmem>>, vector<16xi32>,
        %mul3A_156 = arith.constant 16 : i32
        %mul3A_157 = arith.muli %scan3A_150, %mul3A_156 : i32
        %add3A_158 = vector.broadcast %mul3A_157 : i32 to vector<16xi32>
        %add3A_159 = arith.addi %add3A_158, %iota3A : vector<16xi32>
        %broadcast_in_dim3A_160 = arith.constant true
        %broadcast_in_dim3A_161 = vector.broadcast %broadcast_in_dim3A_160 : i1 to vector<16xi1>
        %unique3A, %unique3A_162 = tpu.scan_count mask(%broadcast_in_dim3A_161 : vector<16xi1>) value(%get3A_155 : vector<16xi32>) : vector<16xi1>, vector<16xi32>
        %sub3A_163 = vector.broadcast %mul3A_4 : i32 to vector<16xi32>
        %sub3A_164 = arith.subi %get3A_155, %sub3A_163 : vector<16xi32>
        %ge3A = arith.constant 0 : i32
        %ge3A_165 = vector.broadcast %ge3A : i32 to vector<16xi32>
        %ge3A_166 = arith.cmpi sge, %sub3A_164, %ge3A_165 : vector<16xi32>
        %and3A_167 = arith.andi %unique3A, %ge3A_166 : vector<16xi1>
        %lt3A_168 = arith.constant 4000 : i32
        %lt3A_169 = vector.broadcast %lt3A_168 : i32 to vector<16xi32>
        %lt3A_170 = arith.cmpi slt, %sub3A_164, %lt3A_169 : vector<16xi32>
        %and3A_171 = arith.andi %and3A_167, %lt3A_170 : vector<16xi1>
        %jit3A_172 = arith.constant 0 : i32
        %jit3A_173 = arith.constant 3999 : i32
        %max3A = vector.broadcast %jit3A_172 : i32 to vector<16xi32>
        %max3A_174 = arith.maxsi %max3A, %sub3A_164 : vector<16xi32>
        %min3A = vector.broadcast %jit3A_173 : i32 to vector<16xi32>
        %min3A_175 = arith.minsi %min3A, %max3A_174 : vector<16xi32>
        tpu.vector_store_idx %arg11[%min3A_175], %add3A_159 masked %and3A_171 : memref<4000xi32, #tpu.memory_space<vmem>>[vector<16xi32>], vector<16xi32>, vector<16xi1>
        %scan3A_176 = arith.constant 0 : i32
        scf.yield %scan3A_176 : i32
      }
      %scan3A_19 = arith.constant 1024 : i32
      %scan3A_20 = arith.constant 0 : i32
      %scan3A_21 = arith.constant 0 : i32
      %scan3A_22 = arith.constant 250 : i32
      %scan3A_23 = arith.addi %scan3A_21, %scan3A_22 : i32
      %scan3A_24 = arith.constant 1 : i32
      %scan3A_25 = scf.for %scan3A_150 = %scan3A_21 to %scan3A_23 step %scan3A_24 iter_args(%scan3A_151 = %scan3A_20) -> (i32)  : i32 {
        %mul3A_152 = arith.constant 16 : i32
        %mul3A_153 = arith.muli %scan3A_150, %mul3A_152 : i32
        %get3A_154 = arith.index_cast %mul3A_153 : i32 to index
        %get3A_155 = tpu.vector_load %arg11[%get3A_154] {strides = array<i32>} : memref<4000xi32, #tpu.memory_space<vmem>>, vector<16xi32>,
        %ge3A = arith.constant 0 : i32
        %ge3A_156 = vector.broadcast %ge3A : i32 to vector<16xi32>
        %ge3A_157 = arith.cmpi sge, %get3A_155, %ge3A_156 : vector<16xi32>
        %mul3A_158 = arith.constant 16 : i32
        %mul3A_159 = arith.muli %scan3A_150, %mul3A_158 : i32
        %add3A_160 = arith.addi %mul3A_4, %mul3A_159 : i32
        %add3A_161 = vector.broadcast %add3A_160 : i32 to vector<16xi32>
        %add3A_162 = arith.addi %add3A_161, %iota3A : vector<16xi32>
        %swap3A_163 = arith.index_cast %scan3A_151 : i32 to index
        %swap3A_164 = tpu.vector_load %arg12[%swap3A_163] masked %ge3A_157 {strides = array<i32>} : memref<4096xi32, #tpu.memory_space<vmem>>, vector<16xi32>, vector<16xi1>
        tpu.vector_store %arg12[%swap3A_163], %add3A_162 masked %ge3A_157 {strides = array<i32>} : memref<4096xi32, #tpu.memory_space<vmem>>, vector<16xi32>, vector<16xi1>
        %swap3A_165 = arith.index_cast %scan3A_151 : i32 to index
        %swap3A_166 = tpu.vector_load %arg13[%swap3A_165] masked %ge3A_157 {strides = array<i32>} : memref<4096xi32, #tpu.memory_space<vmem>>, vector<16xi32>, vector<16xi1>
        tpu.vector_store %arg13[%swap3A_165], %get3A_155 masked %ge3A_157 {strides = array<i32>} : memref<4096xi32, #tpu.memory_space<vmem>>, vector<16xi32>, vector<16xi1>
        %all_reduce_population_count3A = tpu.all_reduce %ge3A_157 {dim = 0 : i64, kind = #tpu.reduction_kind<sum>} : vector<16xi1> -> vector<16xi32>
        %reduce_max3A = arith.constant true
        %reduce_max3A_167 = vector.broadcast %reduce_max3A : i1 to vector<16xi1>
        %reduce_max3A_168 = arith.constant -2147483648 : i32
        %reduce_max3A_169 = vector.broadcast %reduce_max3A_168 : i32 to vector<16xi32>
        %reduce_max3A_170 = arith.xori %all_reduce_population_count3A, %reduce_max3A_169 : vector<16xi32>
        %reduce_max3A_171 = tpu.scan <max>, %reduce_max3A_170 masked %reduce_max3A_167 : vector<16xi32>, vector<16xi1> -> vector<16xi32>
        %reduce_max3A_172 = arith.xori %reduce_max3A_171, %reduce_max3A_169 : vector<16xi32>
        %reduce_max3A_173 = vector.extract %reduce_max3A_172[15] : i32 from vector<16xi32>
        %add3A_174 = arith.addi %scan3A_151, %reduce_max3A_173 : i32
        scf.yield %add3A_174 : i32
      }
      %scan3A_26 = arith.constant 250 : i32
      tpu.wait_dma2 semaphore(%arg17 : memref<!tpu.dma_semaphore, #tpu.memory_space<semaphore_mem>>) src(%arg3 : memref<16384xf32, #tpu.memory_space<hbm>>) dst(%arg10 : memref<16384xf32, #tpu.memory_space<vmem>>)
      %dma_wait3A = tpu.memref_slice %arg4[%mul3A_4] : memref<100000xf32, #tpu.memory_space<hbm>> -> memref<4000xf32, #tpu.memory_space<hbm>>
      %dma_wait3A_27 = tpu.memref_slice %arg4[%mul3A_4] : memref<100000xf32, #tpu.memory_space<hbm>> -> memref<4000xf32, #tpu.memory_space<hbm>>
      tpu.wait_dma2 semaphore(%arg18 : memref<!tpu.dma_semaphore, #tpu.memory_space<semaphore_mem>>) src(%dma_wait3A_27 : memref<4000xf32, #tpu.memory_space<hbm>>) dst(%arg14 : memref<4000xf32, #tpu.memory_space<vmem>>)
      %scan3A_28 = arith.constant 0 : i32
      %scan3A_29 = arith.constant 0 : i32
      %scan3A_30 = arith.constant 250 : i32
      %scan3A_31 = arith.addi %scan3A_29, %scan3A_30 : i32
      %scan3A_32 = arith.constant 1 : i32
      %scan3A_33 = scf.for %scan3A_150 = %scan3A_29 to %scan3A_31 step %scan3A_32 iter_args(%scan3A_151 = %scan3A_28) -> (i32)  : i32 {
        %mul3A_152 = arith.constant 16 : i32
        %mul3A_153 = arith.muli %scan3A_150, %mul3A_152 : i32
        %get3A_154 = arith.index_cast %mul3A_153 : i32 to index
        %get3A_155 = tpu.vector_load %arg11[%get3A_154] {strides = array<i32>} : memref<4000xi32, #tpu.memory_space<vmem>>, vector<16xi32>,
        %ge3A = arith.constant 0 : i32
        %ge3A_156 = vector.broadcast %ge3A : i32 to vector<16xi32>
        %ge3A_157 = arith.cmpi sge, %get3A_155, %ge3A_156 : vector<16xi32>
        %max3A = arith.constant 0 : i32
        %max3A_158 = vector.broadcast %max3A : i32 to vector<16xi32>
        %max3A_159 = arith.maxsi %get3A_155, %max3A_158 : vector<16xi32>
        %gather3A_160 = tpu.vector_load_idx %arg10[%max3A_159] : memref<16384xf32, #tpu.memory_space<vmem>>[vector<16xi32>], vector<16xf32>,
        %mul3A_161 = arith.constant 16 : i32
        %mul3A_162 = arith.muli %scan3A_150, %mul3A_161 : i32
        %get3A_163 = arith.index_cast %mul3A_162 : i32 to index
        %get3A_164 = tpu.vector_load %arg14[%get3A_163] {strides = array<i32>} : memref<4000xf32, #tpu.memory_space<vmem>>, vector<16xf32>,
        %select_n3A_165 = arith.select %ge3A_157, %gather3A_160, %get3A_164 : vector<16xi1>, vector<16xf32>
        %mul3A_166 = arith.constant 16 : i32
        %mul3A_167 = arith.muli %scan3A_150, %mul3A_166 : i32
        %swap3A_168 = arith.index_cast %mul3A_167 : i32 to index
        %swap3A_169 = tpu.vector_load %arg14[%swap3A_168] {strides = array<i32>} : memref<4000xf32, #tpu.memory_space<vmem>>, vector<16xf32>,
        tpu.vector_store %arg14[%swap3A_168], %select_n3A_165 {strides = array<i32>} : memref<4000xf32, #tpu.memory_space<vmem>>, vector<16xf32>,
        %scan3A_170 = arith.constant 0 : i32
        scf.yield %scan3A_170 : i32
      }
      %scan3A_34 = arith.constant 250 : i32
      "tpu.region"() ({
        %run_scoped3A = tpu.sem_alloc : memref<!tpu.dma_semaphore, #tpu.memory_space<semaphore_mem>>
        %dma_start3A_150 = tpu.memref_slice %arg8[%mul3A_4] : memref<100000xf32, #tpu.memory_space<hbm>> -> memref<4000xf32, #tpu.memory_space<hbm>>
        %dma_start3A_151 = tpu.memref_slice %arg8[%mul3A_4] : memref<100000xf32, #tpu.memory_space<hbm>> -> memref<4000xf32, #tpu.memory_space<hbm>>
        tpu.enqueue_dma source(%arg14 : memref<4000xf32, #tpu.memory_space<vmem>>) target(%dma_start3A_151 : memref<4000xf32, #tpu.memory_space<hbm>>) target_semaphore(%run_scoped3A : memref<!tpu.dma_semaphore, #tpu.memory_space<semaphore_mem>>)
        %dma_wait3A_152 = tpu.memref_slice %arg8[%mul3A_4] : memref<100000xf32, #tpu.memory_space<hbm>> -> memref<4000xf32, #tpu.memory_space<hbm>>
        %dma_wait3A_153 = tpu.memref_slice %arg8[%mul3A_4] : memref<100000xf32, #tpu.memory_space<hbm>> -> memref<4000xf32, #tpu.memory_space<hbm>>
        tpu.wait_dma2 semaphore(%run_scoped3A : memref<!tpu.dma_semaphore, #tpu.memory_space<semaphore_mem>>) src(%arg14 : memref<4000xf32, #tpu.memory_space<vmem>>) dst(%dma_wait3A_153 : memref<4000xf32, #tpu.memory_space<hbm>>)
        tpu.yield
      }) : () -> ()
      %broadcast_in_dim3A_35 = arith.constant 0 : i32
      %broadcast_in_dim3A_36 = vector.broadcast %broadcast_in_dim3A_35 : i32 to vector<16xi32>
      %get3A = arith.constant 0 : index
      %get3A_37 = tpu.vector_load %arg12[%get3A] {strides = array<i32>} : memref<4096xi32, #tpu.memory_space<vmem>>, vector<16xi32>,
      %lt3A_38 = arith.constant 0 : i32
      %lt3A_39 = vector.broadcast %lt3A_38 : i32 to vector<16xi32>
      %lt3A_40 = arith.cmpi slt, %broadcast_in_dim3A_36, %lt3A_39 : vector<16xi32>
      %add3A_41 = arith.constant 16 : i32
      %add3A_42 = vector.broadcast %add3A_41 : i32 to vector<16xi32>
      %add3A_43 = arith.addi %broadcast_in_dim3A_36, %add3A_42 : vector<16xi32>
      %select_n3A = arith.select %lt3A_40, %add3A_43, %broadcast_in_dim3A_36 : vector<16xi1>, vector<16xi32>
      %broadcast_in_dim3A_44 = vector.shape_cast %select_n3A : vector<16xi32> to vector<16x1xi32>
      %gather3A = vector.shape_cast %broadcast_in_dim3A_44 : vector<16x1xi32> to vector<16xi32>
      %gather3A_45 = tpu.dynamic_gather %get3A_37[%gather3A] in [0] : vector<16xi32>, vector<16xi32> -> vector<16xi32>
      %get3A_46 = arith.constant 0 : index
      %get3A_47 = tpu.vector_load %arg13[%get3A_46] {strides = array<i32>} : memref<4096xi32, #tpu.memory_space<vmem>>, vector<16xi32>,
      %lt3A_48 = arith.constant 0 : i32
      %lt3A_49 = vector.broadcast %lt3A_48 : i32 to vector<16xi32>
      %lt3A_50 = arith.cmpi slt, %broadcast_in_dim3A_36, %lt3A_49 : vector<16xi32>
      %add3A_51 = arith.constant 16 : i32
      %add3A_52 = vector.broadcast %add3A_51 : i32 to vector<16xi32>
      %add3A_53 = arith.addi %broadcast_in_dim3A_36, %add3A_52 : vector<16xi32>
      %select_n3A_54 = arith.select %lt3A_50, %add3A_53, %broadcast_in_dim3A_36 : vector<16xi1>, vector<16xi32>
      %broadcast_in_dim3A_55 = vector.shape_cast %select_n3A_54 : vector<16xi32> to vector<16x1xi32>
      %gather3A_56 = vector.shape_cast %broadcast_in_dim3A_55 : vector<16x1xi32> to vector<16xi32>
      %gather3A_57 = tpu.dynamic_gather %get3A_47[%gather3A_56] in [0] : vector<16xi32>, vector<16xi32> -> vector<16xi32>
      %add3A_58 = arith.constant 512 : i32
      %add3A_59 = arith.addi %scan3A_25, %add3A_58 : i32
      %sub3A = arith.constant 1 : i32
      %sub3A_60 = arith.subi %add3A_59, %sub3A : i32
      %jit3A = arith.constant 512 : i32
      %div3A = arith.divsi %sub3A_60, %jit3A : i32
      %sign3A = arith.constant 0 : i32
      %sign3A_61 = arith.cmpi sgt, %sub3A_60, %sign3A : i32
      %sign3A_62 = arith.extui %sign3A_61 : i1 to i32
      %sign3A_63 = arith.constant 0 : i32
      %sign3A_64 = arith.cmpi slt, %sub3A_60, %sign3A_63 : i32
      %sign3A_65 = arith.extui %sign3A_64 : i1 to i32
      %sign3A_66 = arith.subi %sign3A_62, %sign3A_65 : i32
      %sign3A_67 = arith.constant 0 : i32
      %sign3A_68 = arith.cmpi sgt, %jit3A, %sign3A_67 : i32
      %sign3A_69 = arith.extui %sign3A_68 : i1 to i32
      %sign3A_70 = arith.constant 0 : i32
      %sign3A_71 = arith.cmpi slt, %jit3A, %sign3A_70 : i32
      %sign3A_72 = arith.extui %sign3A_71 : i1 to i32
      %sign3A_73 = arith.subi %sign3A_69, %sign3A_72 : i32
      %ne3A = arith.cmpi ne, %sign3A_66, %sign3A_73 : i32
      %rem3A = arith.remsi %sub3A_60, %jit3A : i32
      %ne3A_74 = arith.constant 0 : i32
      %ne3A_75 = arith.cmpi ne, %rem3A, %ne3A_74 : i32
      %and3A = arith.andi %ne3A, %ne3A_75 : i1
      %sub3A_76 = arith.constant 1 : i32
      %sub3A_77 = arith.subi %div3A, %sub3A_76 : i32
      %select_n3A_78 = arith.select %and3A, %sub3A_77, %div3A : i32
      %mul3A_79 = arith.constant 512 : i32
      %mul3A_80 = arith.muli %select_n3A_78, %mul3A_79 : i32
      %jit3A_81 = arith.constant 16 : i32
      %div3A_82 = arith.divsi %scan3A_25, %jit3A_81 : i32
      %sign3A_83 = arith.constant 0 : i32
      %sign3A_84 = arith.cmpi sgt, %scan3A_25, %sign3A_83 : i32
      %sign3A_85 = arith.extui %sign3A_84 : i1 to i32
      %sign3A_86 = arith.constant 0 : i32
      %sign3A_87 = arith.cmpi slt, %scan3A_25, %sign3A_86 : i32
      %sign3A_88 = arith.extui %sign3A_87 : i1 to i32
      %sign3A_89 = arith.subi %sign3A_85, %sign3A_88 : i32
      %sign3A_90 = arith.constant 0 : i32
      %sign3A_91 = arith.cmpi sgt, %jit3A_81, %sign3A_90 : i32
      %sign3A_92 = arith.extui %sign3A_91 : i1 to i32
      %sign3A_93 = arith.constant 0 : i32
      %sign3A_94 = arith.cmpi slt, %jit3A_81, %sign3A_93 : i32
      %sign3A_95 = arith.extui %sign3A_94 : i1 to i32
      %sign3A_96 = arith.subi %sign3A_92, %sign3A_95 : i32
      %ne3A_97 = arith.cmpi ne, %sign3A_89, %sign3A_96 : i32
      %rem3A_98 = arith.remsi %scan3A_25, %jit3A_81 : i32
      %ne3A_99 = arith.constant 0 : i32
      %ne3A_100 = arith.cmpi ne, %rem3A_98, %ne3A_99 : i32
      %and3A_101 = arith.andi %ne3A_97, %ne3A_100 : i1
      %sub3A_102 = arith.constant 1 : i32
      %sub3A_103 = arith.subi %div3A_82, %sub3A_102 : i32
      %select_n3A_104 = arith.select %and3A_101, %sub3A_103, %div3A_82 : i32
      %jit3A_105 = arith.constant 16 : i32
      %div3A_106 = arith.divsi %mul3A_80, %jit3A_105 : i32
      %sign3A_107 = arith.constant 0 : i32
      %sign3A_108 = arith.cmpi sgt, %mul3A_80, %sign3A_107 : i32
      %sign3A_109 = arith.extui %sign3A_108 : i1 to i32
      %sign3A_110 = arith.constant 0 : i32
      %sign3A_111 = arith.cmpi slt, %mul3A_80, %sign3A_110 : i32
      %sign3A_112 = arith.extui %sign3A_111 : i1 to i32
      %sign3A_113 = arith.subi %sign3A_109, %sign3A_112 : i32
      %sign3A_114 = arith.constant 0 : i32
      %sign3A_115 = arith.cmpi sgt, %jit3A_105, %sign3A_114 : i32
      %sign3A_116 = arith.extui %sign3A_115 : i1 to i32
      %sign3A_117 = arith.constant 0 : i32
      %sign3A_118 = arith.cmpi slt, %jit3A_105, %sign3A_117 : i32
      %sign3A_119 = arith.extui %sign3A_118 : i1 to i32
      %sign3A_120 = arith.subi %sign3A_116, %sign3A_119 : i32
      %ne3A_121 = arith.cmpi ne, %sign3A_113, %sign3A_120 : i32
      %rem3A_122 = arith.remsi %mul3A_80, %jit3A_105 : i32
      %ne3A_123 = arith.constant 0 : i32
      %ne3A_124 = arith.cmpi ne, %rem3A_122, %ne3A_123 : i32
      %and3A_125 = arith.andi %ne3A_121, %ne3A_124 : i1
      %sub3A_126 = arith.constant 1 : i32
      %sub3A_127 = arith.subi %div3A_106, %sub3A_126 : i32
      %select_n3A_128 = arith.select %and3A_125, %sub3A_127, %div3A_106 : i32
      %while3A = arith.constant 0 : i32
      %while3A_129 = arith.subi %select_n3A_128, %select_n3A_104 : i32
      %while3A_130 = arith.addi %select_n3A_104, %while3A_129 : i32
      %while3A_131 = arith.constant 1 : i32
      %while3A_132 = arith.divsi %while3A_129, %while3A_131 : i32
      %while3A_133 = arith.muli %while3A_132, %while3A_131 : i32
      %while3A_134 = arith.addi %select_n3A_104, %while3A_133 : i32
      %while3A_135 = arith.constant 1 : i32
      %while3A_136 = scf.for %while3A_150 = %select_n3A_104 to %while3A_134 step %while3A_135 iter_args(%while3A_151 = %while3A) -> (i32)  : i32 {
        %mul3A_152 = arith.constant 16 : i32
        %mul3A_153 = arith.muli %while3A_150, %mul3A_152 : i32
        %add3A_154 = vector.broadcast %mul3A_153 : i32 to vector<16xi32>
        %add3A_155 = arith.addi %add3A_154, %iota3A : vector<16xi32>
        %lt3A_156 = vector.broadcast %scan3A_25 : i32 to vector<16xi32>
        %lt3A_157 = arith.cmpi slt, %add3A_155, %lt3A_156 : vector<16xi32>
        %mul3A_158 = arith.constant 16 : i32
        %mul3A_159 = arith.muli %while3A_150, %mul3A_158 : i32
        %get3A_160 = arith.index_cast %mul3A_159 : i32 to index
        %get3A_161 = tpu.vector_load %arg12[%get3A_160] {strides = array<i32>} : memref<4096xi32, #tpu.memory_space<vmem>>, vector<16xi32>,
        %select_n3A_162 = arith.select %lt3A_157, %get3A_161, %gather3A_45 : vector<16xi1>, vector<16xi32>
        %mul3A_163 = arith.constant 16 : i32
        %mul3A_164 = arith.muli %while3A_150, %mul3A_163 : i32
        %swap3A_165 = arith.index_cast %mul3A_164 : i32 to index
        %swap3A_166 = tpu.vector_load %arg12[%swap3A_165] {strides = array<i32>} : memref<4096xi32, #tpu.memory_space<vmem>>, vector<16xi32>,
        tpu.vector_store %arg12[%swap3A_165], %select_n3A_162 {strides = array<i32>} : memref<4096xi32, #tpu.memory_space<vmem>>, vector<16xi32>,
        %mul3A_167 = arith.constant 16 : i32
        %mul3A_168 = arith.muli %while3A_150, %mul3A_167 : i32
        %get3A_169 = arith.index_cast %mul3A_168 : i32 to index
        %get3A_170 = tpu.vector_load %arg13[%get3A_169] {strides = array<i32>} : memref<4096xi32, #tpu.memory_space<vmem>>, vector<16xi32>,
        %select_n3A_171 = arith.select %lt3A_157, %get3A_170, %gather3A_57 : vector<16xi1>, vector<16xi32>
        %mul3A_172 = arith.constant 16 : i32
        %mul3A_173 = arith.muli %while3A_150, %mul3A_172 : i32
        %swap3A_174 = arith.index_cast %mul3A_173 : i32 to index
        %swap3A_175 = tpu.vector_load %arg13[%swap3A_174] {strides = array<i32>} : memref<4096xi32, #tpu.memory_space<vmem>>, vector<16xi32>,
        tpu.vector_store %arg13[%swap3A_174], %select_n3A_171 {strides = array<i32>} : memref<4096xi32, #tpu.memory_space<vmem>>, vector<16xi32>,
        %while3A_176 = arith.constant 0 : i32
        scf.yield %while3A_176 : i32
      }
      %while3A_137 = arith.constant 1 : i32
      %while3A_138 = scf.for %while3A_150 = %while3A_134 to %while3A_130 step %while3A_137 iter_args(%while3A_151 = %while3A_136) -> (i32)  : i32 {
        %mul3A_152 = arith.constant 16 : i32
        %mul3A_153 = arith.muli %while3A_150, %mul3A_152 : i32
        %add3A_154 = vector.broadcast %mul3A_153 : i32 to vector<16xi32>
        %add3A_155 = arith.addi %add3A_154, %iota3A : vector<16xi32>
        %lt3A_156 = vector.broadcast %scan3A_25 : i32 to vector<16xi32>
        %lt3A_157 = arith.cmpi slt, %add3A_155, %lt3A_156 : vector<16xi32>
        %mul3A_158 = arith.constant 16 : i32
        %mul3A_159 = arith.muli %while3A_150, %mul3A_158 : i32
        %get3A_160 = arith.index_cast %mul3A_159 : i32 to index
        %get3A_161 = tpu.vector_load %arg12[%get3A_160] {strides = array<i32>} : memref<4096xi32, #tpu.memory_space<vmem>>, vector<16xi32>,
        %select_n3A_162 = arith.select %lt3A_157, %get3A_161, %gather3A_45 : vector<16xi1>, vector<16xi32>
        %mul3A_163 = arith.constant 16 : i32
        %mul3A_164 = arith.muli %while3A_150, %mul3A_163 : i32
        %swap3A_165 = arith.index_cast %mul3A_164 : i32 to index
        %swap3A_166 = tpu.vector_load %arg12[%swap3A_165] {strides = array<i32>} : memref<4096xi32, #tpu.memory_space<vmem>>, vector<16xi32>,
        tpu.vector_store %arg12[%swap3A_165], %select_n3A_162 {strides = array<i32>} : memref<4096xi32, #tpu.memory_space<vmem>>, vector<16xi32>,
        %mul3A_167 = arith.constant 16 : i32
        %mul3A_168 = arith.muli %while3A_150, %mul3A_167 : i32
        %get3A_169 = arith.index_cast %mul3A_168 : i32 to index
        %get3A_170 = tpu.vector_load %arg13[%get3A_169] {strides = array<i32>} : memref<4096xi32, #tpu.memory_space<vmem>>, vector<16xi32>,
        %select_n3A_171 = arith.select %lt3A_157, %get3A_170, %gather3A_57 : vector<16xi1>, vector<16xi32>
        %mul3A_172 = arith.constant 16 : i32
        %mul3A_173 = arith.muli %while3A_150, %mul3A_172 : i32
        %swap3A_174 = arith.index_cast %mul3A_173 : i32 to index
        %swap3A_175 = tpu.vector_load %arg13[%swap3A_174] {strides = array<i32>} : memref<4096xi32, #tpu.memory_space<vmem>>, vector<16xi32>,
        tpu.vector_store %arg13[%swap3A_174], %select_n3A_171 {strides = array<i32>} : memref<4096xi32, #tpu.memory_space<vmem>>, vector<16xi32>,
        %while3A_176 = arith.constant 0 : i32
        scf.yield %while3A_176 : i32
      }
      %broadcast_in_dim3A_139 = arith.constant 1 : i32
      %broadcast_in_dim3A_140 = vector.broadcast %broadcast_in_dim3A_139 : i32 to vector<16xi32>
      %mul3A_141 = vector.broadcast %scan3A_25 : i32 to vector<16xi32>
      %mul3A_142 = arith.muli %broadcast_in_dim3A_140, %mul3A_141 : vector<16xi32>
      %swap3A = arith.constant 0 : index
      %swap3A_143 = tpu.vector_load %arg15[%swap3A] {strides = array<i32>} : memref<16xi32, #tpu.memory_space<vmem>>, vector<16xi32>,
      tpu.vector_store %arg15[%swap3A], %mul3A_142 {strides = array<i32>} : memref<16xi32, #tpu.memory_space<vmem>>, vector<16xi32>,
      %mul3A_144 = arith.constant 16 : i32
      %mul3A_145 = arith.muli %add3A, %mul3A_144 : i32
      "tpu.region"() ({
        %run_scoped3A = tpu.sem_alloc : memref<!tpu.dma_semaphore, #tpu.memory_space<semaphore_mem>>
        %dma_start3A_150 = tpu.memref_slice %arg7[%mul3A_145] : memref<400xi32, #tpu.memory_space<hbm>> -> memref<16xi32, #tpu.memory_space<hbm>>
        %dma_start3A_151 = tpu.memref_slice %arg7[%mul3A_145] : memref<400xi32, #tpu.memory_space<hbm>> -> memref<16xi32, #tpu.memory_space<hbm>>
        tpu.enqueue_dma source(%arg15 : memref<16xi32, #tpu.memory_space<vmem>>) target(%dma_start3A_151 : memref<16xi32, #tpu.memory_space<hbm>>) target_semaphore(%run_scoped3A : memref<!tpu.dma_semaphore, #tpu.memory_space<semaphore_mem>>)
        %dma_wait3A_152 = tpu.memref_slice %arg7[%mul3A_145] : memref<400xi32, #tpu.memory_space<hbm>> -> memref<16xi32, #tpu.memory_space<hbm>>
        %dma_wait3A_153 = tpu.memref_slice %arg7[%mul3A_145] : memref<400xi32, #tpu.memory_space<hbm>> -> memref<16xi32, #tpu.memory_space<hbm>>
        tpu.wait_dma2 semaphore(%run_scoped3A : memref<!tpu.dma_semaphore, #tpu.memory_space<semaphore_mem>>) src(%arg15 : memref<16xi32, #tpu.memory_space<vmem>>) dst(%dma_wait3A_153 : memref<16xi32, #tpu.memory_space<hbm>>)
        tpu.yield
      }) : () -> ()
      %mul3A_146 = arith.constant 4096 : i32
      %mul3A_147 = arith.muli %add3A, %mul3A_146 : i32
      "tpu.region"() ({
        %run_scoped3A = tpu.sem_alloc : memref<!tpu.dma_semaphore, #tpu.memory_space<semaphore_mem>>
        %dma_start3A_150 = tpu.memref_slice %arg5[%mul3A_147] : memref<102400xi32, #tpu.memory_space<hbm>> -> memref<4096xi32, #tpu.memory_space<hbm>>
        %dma_start3A_151 = tpu.memref_slice %arg5[%mul3A_147] : memref<102400xi32, #tpu.memory_space<hbm>> -> memref<4096xi32, #tpu.memory_space<hbm>>
        tpu.enqueue_dma source(%arg12 : memref<4096xi32, #tpu.memory_space<vmem>>) target(%dma_start3A_151 : memref<4096xi32, #tpu.memory_space<hbm>>) target_semaphore(%run_scoped3A : memref<!tpu.dma_semaphore, #tpu.memory_space<semaphore_mem>>)
        %dma_wait3A_152 = tpu.memref_slice %arg5[%mul3A_147] : memref<102400xi32, #tpu.memory_space<hbm>> -> memref<4096xi32, #tpu.memory_space<hbm>>
        %dma_wait3A_153 = tpu.memref_slice %arg5[%mul3A_147] : memref<102400xi32, #tpu.memory_space<hbm>> -> memref<4096xi32, #tpu.memory_space<hbm>>
        tpu.wait_dma2 semaphore(%run_scoped3A : memref<!tpu.dma_semaphore, #tpu.memory_space<semaphore_mem>>) src(%arg12 : memref<4096xi32, #tpu.memory_space<vmem>>) dst(%dma_wait3A_153 : memref<4096xi32, #tpu.memory_space<hbm>>)
        tpu.yield
      }) : () -> ()
      %mul3A_148 = arith.constant 4096 : i32
      %mul3A_149 = arith.muli %add3A, %mul3A_148 : i32
      "tpu.region"() ({
        %run_scoped3A = tpu.sem_alloc : memref<!tpu.dma_semaphore, #tpu.memory_space<semaphore_mem>>
        %dma_start3A_150 = tpu.memref_slice %arg6[%mul3A_149] : memref<102400xi32, #tpu.memory_space<hbm>> -> memref<4096xi32, #tpu.memory_space<hbm>>
        %dma_start3A_151 = tpu.memref_slice %arg6[%mul3A_149] : memref<102400xi32, #tpu.memory_space<hbm>> -> memref<4096xi32, #tpu.memory_space<hbm>>
        tpu.enqueue_dma source(%arg13 : memref<4096xi32, #tpu.memory_space<vmem>>) target(%dma_start3A_151 : memref<4096xi32, #tpu.memory_space<hbm>>) target_semaphore(%run_scoped3A : memref<!tpu.dma_semaphore, #tpu.memory_space<semaphore_mem>>)
        %dma_wait3A_152 = tpu.memref_slice %arg6[%mul3A_149] : memref<102400xi32, #tpu.memory_space<hbm>> -> memref<4096xi32, #tpu.memory_space<hbm>>
        %dma_wait3A_153 = tpu.memref_slice %arg6[%mul3A_149] : memref<102400xi32, #tpu.memory_space<hbm>> -> memref<4096xi32, #tpu.memory_space<hbm>>
        tpu.wait_dma2 semaphore(%run_scoped3A : memref<!tpu.dma_semaphore, #tpu.memory_space<semaphore_mem>>) src(%arg13 : memref<4096xi32, #tpu.memory_space<vmem>>) dst(%dma_wait3A_153 : memref<4096xi32, #tpu.memory_space<hbm>>)
        tpu.yield
      }) : () -> ()
    } else {
    }
    return
  }
}

#map = affine_map<(d0, d1) -> (0, 0)>
#map1 = affine_map<(d0, d1) -> (0)>
module attributes {stable_mosaic.version = 14 : i64} {
  func.func @new_body(%arg0: i32, %arg1: i32, %arg2: memref<16384x128xf32, #tpu.memory_space<hbm>>, %arg3: memref<102400xi32, #tpu.memory_space<hbm>>, %arg4: memref<102400xi32, #tpu.memory_space<hbm>>, %arg5: memref<400xi32, #tpu.memory_space<hbm>>, %arg6: memref<100000x128xf32, #tpu.memory_space<hbm>>, %arg7: memref<100000x128xf32, #tpu.memory_space<hbm>>, %arg8: memref<4096xi32, #tpu.memory_space<vmem>>, %arg9: memref<4096xi32, #tpu.memory_space<vmem>>, %arg10: memref<16xi32, #tpu.memory_space<vmem>>, %arg11: memref<512xi32, #tpu.memory_space<vmem>>, %arg12: memref<512xi32, #tpu.memory_space<vmem>>, %arg13: memref<512x128xf32, #tpu.memory_space<vmem>>, %arg14: memref<!tpu.dma_semaphore, #tpu.memory_space<semaphore_mem>>, %arg15: memref<!tpu.dma_semaphore, #tpu.memory_space<semaphore_mem>>, %arg16: memref<!tpu.dma_semaphore, #tpu.memory_space<semaphore_mem>>, %arg17: memref<!tpu.dma_semaphore, #tpu.memory_space<semaphore_mem>>, %arg18: memref<!tpu.dma_semaphore, #tpu.memory_space<semaphore_mem>>) attributes {dimension_semantics = [#tpu.dimension_semantics<core_parallel>, #tpu.dimension_semantics<subcore_parallel>], iteration_bounds = array<i64: 2, 16>, scalar_prefetch = 0 : i64, scratch_operands = 11 : i64, tpu.core_type = #tpu.core_type<sc_vector_subcore>, window_params = [{transform_indices = #map}, {transform_indices = #map1}, {transform_indices = #map1}, {transform_indices = #map1}, {transform_indices = #map}, {transform_indices = #map}]} {
    %mul3A = arith.constant 2 : i32
    %mul3A_0 = arith.muli %arg1, %mul3A : i32
    %add3A = arith.addi %mul3A_0, %arg0 : i32
    %lt3A = arith.constant 25 : i32
    %lt3A_1 = arith.cmpi slt, %add3A, %lt3A : i32
    %convert_element_type3A = arith.extui %lt3A_1 : i1 to i32
    %cond3A = arith.constant 0 : i32
    %cond3A_2 = arith.cmpi ne, %convert_element_type3A, %cond3A : i32
    scf.if %cond3A_2 {
      %mul3A_3 = arith.constant 4096 : i32
      %mul3A_4 = arith.muli %add3A, %mul3A_3 : i32
      %dma_start3A = tpu.memref_slice %arg3[%mul3A_4] : memref<102400xi32, #tpu.memory_space<hbm>> -> memref<4096xi32, #tpu.memory_space<hbm>>
      %dma_start3A_5 = tpu.memref_slice %arg3[%mul3A_4] : memref<102400xi32, #tpu.memory_space<hbm>> -> memref<4096xi32, #tpu.memory_space<hbm>>
      tpu.enqueue_dma source(%dma_start3A_5 : memref<4096xi32, #tpu.memory_space<hbm>>) target(%arg8 : memref<4096xi32, #tpu.memory_space<vmem>>) target_semaphore(%arg14 : memref<!tpu.dma_semaphore, #tpu.memory_space<semaphore_mem>>)
      %mul3A_6 = arith.constant 4096 : i32
      %mul3A_7 = arith.muli %add3A, %mul3A_6 : i32
      %dma_start3A_8 = tpu.memref_slice %arg4[%mul3A_7] : memref<102400xi32, #tpu.memory_space<hbm>> -> memref<4096xi32, #tpu.memory_space<hbm>>
      %dma_start3A_9 = tpu.memref_slice %arg4[%mul3A_7] : memref<102400xi32, #tpu.memory_space<hbm>> -> memref<4096xi32, #tpu.memory_space<hbm>>
      tpu.enqueue_dma source(%dma_start3A_9 : memref<4096xi32, #tpu.memory_space<hbm>>) target(%arg9 : memref<4096xi32, #tpu.memory_space<vmem>>) target_semaphore(%arg15 : memref<!tpu.dma_semaphore, #tpu.memory_space<semaphore_mem>>)
      %mul3A_10 = arith.constant 16 : i32
      %mul3A_11 = arith.muli %add3A, %mul3A_10 : i32
      %dma_start3A_12 = tpu.memref_slice %arg5[%mul3A_11] : memref<400xi32, #tpu.memory_space<hbm>> -> memref<16xi32, #tpu.memory_space<hbm>>
      %dma_start3A_13 = tpu.memref_slice %arg5[%mul3A_11] : memref<400xi32, #tpu.memory_space<hbm>> -> memref<16xi32, #tpu.memory_space<hbm>>
      tpu.enqueue_dma source(%dma_start3A_13 : memref<16xi32, #tpu.memory_space<hbm>>) target(%arg10 : memref<16xi32, #tpu.memory_space<vmem>>) target_semaphore(%arg16 : memref<!tpu.dma_semaphore, #tpu.memory_space<semaphore_mem>>)
      %dma_wait3A = tpu.memref_slice %arg3[%mul3A_4] : memref<102400xi32, #tpu.memory_space<hbm>> -> memref<4096xi32, #tpu.memory_space<hbm>>
      %dma_wait3A_14 = tpu.memref_slice %arg3[%mul3A_4] : memref<102400xi32, #tpu.memory_space<hbm>> -> memref<4096xi32, #tpu.memory_space<hbm>>
      tpu.wait_dma2 semaphore(%arg14 : memref<!tpu.dma_semaphore, #tpu.memory_space<semaphore_mem>>) src(%dma_wait3A_14 : memref<4096xi32, #tpu.memory_space<hbm>>) dst(%arg8 : memref<4096xi32, #tpu.memory_space<vmem>>)
      %dma_wait3A_15 = tpu.memref_slice %arg4[%mul3A_7] : memref<102400xi32, #tpu.memory_space<hbm>> -> memref<4096xi32, #tpu.memory_space<hbm>>
      %dma_wait3A_16 = tpu.memref_slice %arg4[%mul3A_7] : memref<102400xi32, #tpu.memory_space<hbm>> -> memref<4096xi32, #tpu.memory_space<hbm>>
      tpu.wait_dma2 semaphore(%arg15 : memref<!tpu.dma_semaphore, #tpu.memory_space<semaphore_mem>>) src(%dma_wait3A_16 : memref<4096xi32, #tpu.memory_space<hbm>>) dst(%arg9 : memref<4096xi32, #tpu.memory_space<vmem>>)
      %dma_wait3A_17 = tpu.memref_slice %arg5[%mul3A_11] : memref<400xi32, #tpu.memory_space<hbm>> -> memref<16xi32, #tpu.memory_space<hbm>>
      %dma_wait3A_18 = tpu.memref_slice %arg5[%mul3A_11] : memref<400xi32, #tpu.memory_space<hbm>> -> memref<16xi32, #tpu.memory_space<hbm>>
      tpu.wait_dma2 semaphore(%arg16 : memref<!tpu.dma_semaphore, #tpu.memory_space<semaphore_mem>>) src(%dma_wait3A_18 : memref<16xi32, #tpu.memory_space<hbm>>) dst(%arg10 : memref<16xi32, #tpu.memory_space<vmem>>)
      %get3A = arith.constant 0 : index
      %get3A_19 = tpu.vector_load %arg10[%get3A] {strides = array<i32>} : memref<16xi32, #tpu.memory_space<vmem>>, vector<16xi32>,
      %reduce_max3A = arith.constant true
      %reduce_max3A_20 = vector.broadcast %reduce_max3A : i1 to vector<16xi1>
      %reduce_max3A_21 = arith.constant -2147483648 : i32
      %reduce_max3A_22 = vector.broadcast %reduce_max3A_21 : i32 to vector<16xi32>
      %reduce_max3A_23 = arith.xori %get3A_19, %reduce_max3A_22 : vector<16xi32>
      %reduce_max3A_24 = tpu.scan <max>, %reduce_max3A_23 masked %reduce_max3A_20 : vector<16xi32>, vector<16xi1> -> vector<16xi32>
      %reduce_max3A_25 = arith.xori %reduce_max3A_24, %reduce_max3A_22 : vector<16xi32>
      %reduce_max3A_26 = vector.extract %reduce_max3A_25[15] : i32 from vector<16xi32>
      %add3A_27 = arith.constant 512 : i32
      %add3A_28 = arith.addi %reduce_max3A_26, %add3A_27 : i32
      %sub3A = arith.constant 1 : i32
      %sub3A_29 = arith.subi %add3A_28, %sub3A : i32
      %jit3A = arith.constant 512 : i32
      %div3A = arith.divsi %sub3A_29, %jit3A : i32
      %sign3A = arith.constant 0 : i32
      %sign3A_30 = arith.cmpi sgt, %sub3A_29, %sign3A : i32
      %sign3A_31 = arith.extui %sign3A_30 : i1 to i32
      %sign3A_32 = arith.constant 0 : i32
      %sign3A_33 = arith.cmpi slt, %sub3A_29, %sign3A_32 : i32
      %sign3A_34 = arith.extui %sign3A_33 : i1 to i32
      %sign3A_35 = arith.subi %sign3A_31, %sign3A_34 : i32
      %sign3A_36 = arith.constant 0 : i32
      %sign3A_37 = arith.cmpi sgt, %jit3A, %sign3A_36 : i32
      %sign3A_38 = arith.extui %sign3A_37 : i1 to i32
      %sign3A_39 = arith.constant 0 : i32
      %sign3A_40 = arith.cmpi slt, %jit3A, %sign3A_39 : i32
      %sign3A_41 = arith.extui %sign3A_40 : i1 to i32
      %sign3A_42 = arith.subi %sign3A_38, %sign3A_41 : i32
      %ne3A = arith.cmpi ne, %sign3A_35, %sign3A_42 : i32
      %rem3A = arith.remsi %sub3A_29, %jit3A : i32
      %ne3A_43 = arith.constant 0 : i32
      %ne3A_44 = arith.cmpi ne, %rem3A, %ne3A_43 : i32
      %and3A = arith.andi %ne3A, %ne3A_44 : i1
      %sub3A_45 = arith.constant 1 : i32
      %sub3A_46 = arith.subi %div3A, %sub3A_45 : i32
      %select_n3A = arith.select %and3A, %sub3A_46, %div3A : i32
      %mul3A_47 = arith.constant 512 : i32
      %mul3A_48 = arith.muli %select_n3A, %mul3A_47 : i32
      %gt3A = arith.constant 0 : i32
      %gt3A_49 = arith.cmpi sgt, %reduce_max3A_26, %gt3A : i32
      %convert_element_type3A_50 = arith.extui %gt3A_49 : i1 to i32
      %cond3A_51 = arith.constant 0 : i32
      %cond3A_52 = arith.cmpi ne, %convert_element_type3A_50, %cond3A_51 : i32
      scf.if %cond3A_52 {
        %jit3A_53 = arith.constant 512 : i32
        %div3A_54 = arith.divsi %mul3A_48, %jit3A_53 : i32
        %sign3A_55 = arith.constant 0 : i32
        %sign3A_56 = arith.cmpi sgt, %mul3A_48, %sign3A_55 : i32
        %sign3A_57 = arith.extui %sign3A_56 : i1 to i32
        %sign3A_58 = arith.constant 0 : i32
        %sign3A_59 = arith.cmpi slt, %mul3A_48, %sign3A_58 : i32
        %sign3A_60 = arith.extui %sign3A_59 : i1 to i32
        %sign3A_61 = arith.subi %sign3A_57, %sign3A_60 : i32
        %sign3A_62 = arith.constant 0 : i32
        %sign3A_63 = arith.cmpi sgt, %jit3A_53, %sign3A_62 : i32
        %sign3A_64 = arith.extui %sign3A_63 : i1 to i32
        %sign3A_65 = arith.constant 0 : i32
        %sign3A_66 = arith.cmpi slt, %jit3A_53, %sign3A_65 : i32
        %sign3A_67 = arith.extui %sign3A_66 : i1 to i32
        %sign3A_68 = arith.subi %sign3A_64, %sign3A_67 : i32
        %ne3A_69 = arith.cmpi ne, %sign3A_61, %sign3A_68 : i32
        %rem3A_70 = arith.remsi %mul3A_48, %jit3A_53 : i32
        %ne3A_71 = arith.constant 0 : i32
        %ne3A_72 = arith.cmpi ne, %rem3A_70, %ne3A_71 : i32
        %and3A_73 = arith.andi %ne3A_69, %ne3A_72 : i1
        %sub3A_74 = arith.constant 1 : i32
        %sub3A_75 = arith.subi %div3A_54, %sub3A_74 : i32
        %select_n3A_76 = arith.select %and3A_73, %sub3A_75, %div3A_54 : i32
        %while3A = arith.constant 0 : i32
        %while3A_77 = arith.constant 0 : i32
        %while3A_78 = arith.subi %select_n3A_76, %while3A : i32
        %while3A_79 = arith.addi %while3A, %while3A_78 : i32
        %while3A_80 = arith.constant 1 : i32
        %while3A_81 = arith.divsi %while3A_78, %while3A_80 : i32
        %while3A_82 = arith.muli %while3A_81, %while3A_80 : i32
        %while3A_83 = arith.addi %while3A, %while3A_82 : i32
        %while3A_84 = arith.constant 1 : i32
        %while3A_85 = scf.for %while3A_88 = %while3A to %while3A_83 step %while3A_84 iter_args(%while3A_89 = %while3A_77) -> (i32)  : i32 {
          %mul3A_90 = arith.constant 512 : i32
          %mul3A_91 = arith.muli %while3A_88, %mul3A_90 : i32
          %dma_start3A_92 = tpu.memref_slice %arg9[%mul3A_91] : memref<4096xi32, #tpu.memory_space<vmem>> -> memref<512xi32, #tpu.memory_space<vmem>>
          %dma_start3A_93 = arith.constant 0 : i32
          %dma_start3A_94 = arith.constant 0 : i32
          %dma_start3A_95 = tpu.memref_slice %arg2[%dma_start3A_93, %dma_start3A_94] : memref<16384x128xf32, #tpu.memory_space<hbm>> -> memref<16384x128xf32, #tpu.memory_space<hbm>>
          tpu.enqueue_indirect_dma source(%dma_start3A_95 : memref<16384x128xf32, #tpu.memory_space<hbm>>) target(%arg13 : memref<512x128xf32, #tpu.memory_space<vmem>>) offsets(%dma_start3A_92 : memref<512xi32, #tpu.memory_space<vmem>>) semaphore(%arg17 : memref<!tpu.dma_semaphore, #tpu.memory_space<semaphore_mem>>)
          %dma_wait3A_96 = tpu.memref_slice %arg9[%mul3A_91] : memref<4096xi32, #tpu.memory_space<vmem>> -> memref<512xi32, #tpu.memory_space<vmem>>
          %dma_wait3A_97 = arith.constant 0 : i32
          %dma_wait3A_98 = arith.constant 0 : i32
          %dma_wait3A_99 = tpu.memref_slice %arg2[%dma_wait3A_97, %dma_wait3A_98] : memref<16384x128xf32, #tpu.memory_space<hbm>> -> memref<16384x128xf32, #tpu.memory_space<hbm>>
          tpu.wait_indirect_dma semaphore(%arg17 : memref<!tpu.dma_semaphore, #tpu.memory_space<semaphore_mem>>) src(%dma_wait3A_99 : memref<16384x128xf32, #tpu.memory_space<hbm>>) dst(%arg13 : memref<512x128xf32, #tpu.memory_space<vmem>>)
          %dma_start3A_100 = tpu.memref_slice %arg8[%mul3A_91] : memref<4096xi32, #tpu.memory_space<vmem>> -> memref<512xi32, #tpu.memory_space<vmem>>
          %dma_start3A_101 = arith.constant 0 : i32
          %dma_start3A_102 = arith.constant 0 : i32
          %dma_start3A_103 = tpu.memref_slice %arg6[%dma_start3A_101, %dma_start3A_102] : memref<100000x128xf32, #tpu.memory_space<hbm>> -> memref<100000x128xf32, #tpu.memory_space<hbm>>
          tpu.enqueue_indirect_dma source(%arg13 : memref<512x128xf32, #tpu.memory_space<vmem>>) target(%dma_start3A_103 : memref<100000x128xf32, #tpu.memory_space<hbm>>) offsets(%dma_start3A_100 : memref<512xi32, #tpu.memory_space<vmem>>) semaphore(%arg18 : memref<!tpu.dma_semaphore, #tpu.memory_space<semaphore_mem>>)
          %dma_wait3A_104 = tpu.memref_slice %arg8[%mul3A_91] : memref<4096xi32, #tpu.memory_space<vmem>> -> memref<512xi32, #tpu.memory_space<vmem>>
          %dma_wait3A_105 = arith.constant 0 : i32
          %dma_wait3A_106 = arith.constant 0 : i32
          %dma_wait3A_107 = tpu.memref_slice %arg6[%dma_wait3A_105, %dma_wait3A_106] : memref<100000x128xf32, #tpu.memory_space<hbm>> -> memref<100000x128xf32, #tpu.memory_space<hbm>>
          tpu.wait_indirect_dma semaphore(%arg18 : memref<!tpu.dma_semaphore, #tpu.memory_space<semaphore_mem>>) src(%arg13 : memref<512x128xf32, #tpu.memory_space<vmem>>) dst(%dma_wait3A_107 : memref<100000x128xf32, #tpu.memory_space<hbm>>)
          %while3A_108 = arith.constant 0 : i32
          scf.yield %while3A_108 : i32
        }
        %while3A_86 = arith.constant 1 : i32
        %while3A_87 = scf.for %while3A_88 = %while3A_83 to %while3A_79 step %while3A_86 iter_args(%while3A_89 = %while3A_85) -> (i32)  : i32 {
          %mul3A_90 = arith.constant 512 : i32
          %mul3A_91 = arith.muli %while3A_88, %mul3A_90 : i32
          %dma_start3A_92 = tpu.memref_slice %arg9[%mul3A_91] : memref<4096xi32, #tpu.memory_space<vmem>> -> memref<512xi32, #tpu.memory_space<vmem>>
          %dma_start3A_93 = arith.constant 0 : i32
          %dma_start3A_94 = arith.constant 0 : i32
          %dma_start3A_95 = tpu.memref_slice %arg2[%dma_start3A_93, %dma_start3A_94] : memref<16384x128xf32, #tpu.memory_space<hbm>> -> memref<16384x128xf32, #tpu.memory_space<hbm>>
          tpu.enqueue_indirect_dma source(%dma_start3A_95 : memref<16384x128xf32, #tpu.memory_space<hbm>>) target(%arg13 : memref<512x128xf32, #tpu.memory_space<vmem>>) offsets(%dma_start3A_92 : memref<512xi32, #tpu.memory_space<vmem>>) semaphore(%arg17 : memref<!tpu.dma_semaphore, #tpu.memory_space<semaphore_mem>>)
          %dma_wait3A_96 = tpu.memref_slice %arg9[%mul3A_91] : memref<4096xi32, #tpu.memory_space<vmem>> -> memref<512xi32, #tpu.memory_space<vmem>>
          %dma_wait3A_97 = arith.constant 0 : i32
          %dma_wait3A_98 = arith.constant 0 : i32
          %dma_wait3A_99 = tpu.memref_slice %arg2[%dma_wait3A_97, %dma_wait3A_98] : memref<16384x128xf32, #tpu.memory_space<hbm>> -> memref<16384x128xf32, #tpu.memory_space<hbm>>
          tpu.wait_indirect_dma semaphore(%arg17 : memref<!tpu.dma_semaphore, #tpu.memory_space<semaphore_mem>>) src(%dma_wait3A_99 : memref<16384x128xf32, #tpu.memory_space<hbm>>) dst(%arg13 : memref<512x128xf32, #tpu.memory_space<vmem>>)
          %dma_start3A_100 = tpu.memref_slice %arg8[%mul3A_91] : memref<4096xi32, #tpu.memory_space<vmem>> -> memref<512xi32, #tpu.memory_space<vmem>>
          %dma_start3A_101 = arith.constant 0 : i32
          %dma_start3A_102 = arith.constant 0 : i32
          %dma_start3A_103 = tpu.memref_slice %arg6[%dma_start3A_101, %dma_start3A_102] : memref<100000x128xf32, #tpu.memory_space<hbm>> -> memref<100000x128xf32, #tpu.memory_space<hbm>>
          tpu.enqueue_indirect_dma source(%arg13 : memref<512x128xf32, #tpu.memory_space<vmem>>) target(%dma_start3A_103 : memref<100000x128xf32, #tpu.memory_space<hbm>>) offsets(%dma_start3A_100 : memref<512xi32, #tpu.memory_space<vmem>>) semaphore(%arg18 : memref<!tpu.dma_semaphore, #tpu.memory_space<semaphore_mem>>)
          %dma_wait3A_104 = tpu.memref_slice %arg8[%mul3A_91] : memref<4096xi32, #tpu.memory_space<vmem>> -> memref<512xi32, #tpu.memory_space<vmem>>
          %dma_wait3A_105 = arith.constant 0 : i32
          %dma_wait3A_106 = arith.constant 0 : i32
          %dma_wait3A_107 = tpu.memref_slice %arg6[%dma_wait3A_105, %dma_wait3A_106] : memref<100000x128xf32, #tpu.memory_space<hbm>> -> memref<100000x128xf32, #tpu.memory_space<hbm>>
          tpu.wait_indirect_dma semaphore(%arg18 : memref<!tpu.dma_semaphore, #tpu.memory_space<semaphore_mem>>) src(%arg13 : memref<512x128xf32, #tpu.memory_space<vmem>>) dst(%dma_wait3A_107 : memref<100000x128xf32, #tpu.memory_space<hbm>>)
          %while3A_108 = arith.constant 0 : i32
          scf.yield %while3A_108 : i32
        }
      } else {
      }
    } else {
    }
    return
  }
}

module attributes {stable_mosaic.version = 14 : i64} {
  func.func @_gru_body(%arg0: i32, %arg1: memref<2048x192xf32, #tpu.memory_space<vmem>>, %arg2: memref<2048x128xf32, #tpu.memory_space<vmem>>, %arg3: memref<192x384xf32, #tpu.memory_space<vmem>>, %arg4: memref<128x384xf32, #tpu.memory_space<vmem>>, %arg5: memref<1x384xf32, #tpu.memory_space<vmem>>, %arg6: memref<1x384xf32, #tpu.memory_space<vmem>>, %arg7: memref<2048x128xf32, #tpu.memory_space<vmem>>) attributes {dimension_semantics = [#tpu.dimension_semantics<arbitrary>], iteration_bounds = array<i64: 8>, scalar_prefetch = 0 : i64, scratch_operands = 0 : i64, tpu.core_type = #tpu.core_type<tc>, window_params = [{transform_indices = @transform_0, window_bounds = array<i64: 2048, 192>}, {transform_indices = @transform_1, window_bounds = array<i64: 2048, 128>}, {pipeline_mode = #tpu.pipeline_mode<synchronous>, transform_indices = @transform_2, window_bounds = array<i64: 192, 384>}, {pipeline_mode = #tpu.pipeline_mode<synchronous>, transform_indices = @transform_3, window_bounds = array<i64: 128, 384>}, {pipeline_mode = #tpu.pipeline_mode<synchronous>, transform_indices = @transform_4, window_bounds = array<i64: 1, 384>}, {pipeline_mode = #tpu.pipeline_mode<synchronous>, transform_indices = @transform_5, window_bounds = array<i64: 1, 384>}, {transform_indices = @transform_6, window_bounds = array<i64: 2048, 128>}]} {
    %get3A = arith.constant 0 : index
    %get3A_0 = arith.constant 0 : index
    %get3A_1 = vector.load %arg1[%get3A, %get3A_0] : memref<2048x192xf32, #tpu.memory_space<vmem>>, vector<2048x192xf32>
    %get3A_2 = arith.constant 0 : index
    %get3A_3 = arith.constant 0 : index
    %get3A_4 = vector.load %arg2[%get3A_2, %get3A_3] : memref<2048x128xf32, #tpu.memory_space<vmem>>, vector<2048x128xf32>
    %get3A_5 = arith.constant 0 : index
    %get3A_6 = arith.constant 0 : index
    %get3A_7 = vector.load %arg3[%get3A_5, %get3A_6] : memref<192x384xf32, #tpu.memory_space<vmem>>, vector<192x384xf32>
    %dot_general3A = arith.constant dense<0.000000e+00> : vector<2048x384xf32>
    %dot_general3A_8 = tpu.matmul %get3A_1, %get3A_7, %dot_general3A {dimension_numbers = #tpu.dot_dimension_numbers<[1], [0], [0], [1], [0, 0, 1, 1], [], []>, transpose_lhs_hint = false} : vector<2048x192xf32>, vector<192x384xf32>, vector<2048x384xf32> -> vector<2048x384xf32>
    %get3A_9 = arith.constant 0 : index
    %get3A_10 = arith.constant 0 : index
    %get3A_11 = vector.load %arg4[%get3A_9, %get3A_10] : memref<128x384xf32, #tpu.memory_space<vmem>>, vector<128x384xf32>
    %dot_general3A_12 = arith.constant dense<0.000000e+00> : vector<2048x384xf32>
    %dot_general3A_13 = tpu.matmul %get3A_4, %get3A_11, %dot_general3A_12 {dimension_numbers = #tpu.dot_dimension_numbers<[1], [0], [0], [1], [0, 0, 1, 1], [], []>, transpose_lhs_hint = false} : vector<2048x128xf32>, vector<128x384xf32>, vector<2048x384xf32> -> vector<2048x384xf32>
    %get3A_14 = arith.constant 0 : index
    %get3A_15 = arith.constant 0 : index
    %get3A_16 = vector.load %arg5[%get3A_14, %get3A_15] : memref<1x384xf32, #tpu.memory_space<vmem>>, vector<1x384xf32>
    %add3A = vector.broadcast %get3A_16 : vector<1x384xf32> to vector<2048x384xf32>
    %add3A_17 = arith.addf %dot_general3A_8, %add3A : vector<2048x384xf32>
    %get3A_18 = arith.constant 0 : index
    %get3A_19 = arith.constant 0 : index
    %get3A_20 = vector.load %arg6[%get3A_18, %get3A_19] : memref<1x384xf32, #tpu.memory_space<vmem>>, vector<1x384xf32>
    %add3A_21 = vector.broadcast %get3A_20 : vector<1x384xf32> to vector<2048x384xf32>
    %add3A_22 = arith.addf %dot_general3A_13, %add3A_21 : vector<2048x384xf32>
    %slice3A = vector.extract_strided_slice %add3A_17 {offsets = [0, 0], sizes = [2048, 128], strides = [1, 1]} : vector<2048x384xf32> to vector<2048x128xf32>
    %slice3A_23 = vector.extract_strided_slice %add3A_22 {offsets = [0, 0], sizes = [2048, 128], strides = [1, 1]} : vector<2048x384xf32> to vector<2048x128xf32>
    %add3A_24 = arith.addf %slice3A, %slice3A_23 : vector<2048x128xf32>
    %logistic3A = arith.negf %add3A_24 : vector<2048x128xf32>
    %logistic3A_25 = math.exp %logistic3A : vector<2048x128xf32>
    %logistic3A_26 = arith.constant 1.000000e+00 : f32
    %logistic3A_27 = vector.broadcast %logistic3A_26 : f32 to vector<2048x128xf32>
    %logistic3A_28 = arith.addf %logistic3A_27, %logistic3A_25 : vector<2048x128xf32>
    %logistic3A_29 = arith.divf %logistic3A_27, %logistic3A_28 : vector<2048x128xf32>
    %slice3A_30 = vector.extract_strided_slice %add3A_17 {offsets = [0, 128], sizes = [2048, 128], strides = [1, 1]} : vector<2048x384xf32> to vector<2048x128xf32>
    %slice3A_31 = vector.extract_strided_slice %add3A_22 {offsets = [0, 128], sizes = [2048, 128], strides = [1, 1]} : vector<2048x384xf32> to vector<2048x128xf32>
    %add3A_32 = arith.addf %slice3A_30, %slice3A_31 : vector<2048x128xf32>
    %logistic3A_33 = arith.negf %add3A_32 : vector<2048x128xf32>
    %logistic3A_34 = math.exp %logistic3A_33 : vector<2048x128xf32>
    %logistic3A_35 = arith.constant 1.000000e+00 : f32
    %logistic3A_36 = vector.broadcast %logistic3A_35 : f32 to vector<2048x128xf32>
    %logistic3A_37 = arith.addf %logistic3A_36, %logistic3A_34 : vector<2048x128xf32>
    %logistic3A_38 = arith.divf %logistic3A_36, %logistic3A_37 : vector<2048x128xf32>
    %slice3A_39 = vector.extract_strided_slice %add3A_17 {offsets = [0, 256], sizes = [2048, 128], strides = [1, 1]} : vector<2048x384xf32> to vector<2048x128xf32>
    %slice3A_40 = vector.extract_strided_slice %add3A_22 {offsets = [0, 256], sizes = [2048, 128], strides = [1, 1]} : vector<2048x384xf32> to vector<2048x128xf32>
    %mul3A = arith.mulf %logistic3A_29, %slice3A_40 : vector<2048x128xf32>
    %add3A_41 = arith.addf %slice3A_39, %mul3A : vector<2048x128xf32>
    %tanh3A = math.tanh %add3A_41 : vector<2048x128xf32>
    %sub3A = arith.constant 1.000000e+00 : f32
    %sub3A_42 = vector.broadcast %sub3A : f32 to vector<2048x128xf32>
    %sub3A_43 = arith.subf %sub3A_42, %logistic3A_38 : vector<2048x128xf32>
    %mul3A_44 = arith.mulf %sub3A_43, %tanh3A : vector<2048x128xf32>
    %mul3A_45 = arith.mulf %logistic3A_38, %get3A_4 : vector<2048x128xf32>
    %add3A_46 = arith.addf %mul3A_44, %mul3A_45 : vector<2048x128xf32>
    %swap3A = arith.constant 0 : index
    %swap3A_47 = arith.constant 0 : index
    %swap3A_48 = vector.load %arg7[%swap3A, %swap3A_47] : memref<2048x128xf32, #tpu.memory_space<vmem>>, vector<2048x128xf32>
    tpu.vector_store %arg7[%swap3A, %swap3A_47], %add3A_46 {strides = array<i32>} : memref<2048x128xf32, #tpu.memory_space<vmem>>, vector<2048x128xf32>,
    return
  }
  func.func @transform_0(%arg0: i32) -> (i32, i32) {
    %c0_i32 = arith.constant 0 : i32
    %c0_i32_0 = arith.constant 0 : i32
    return %arg0, %c0_i32 : i32, i32
  }
  func.func @transform_1(%arg0: i32) -> (i32, i32) {
    %c0_i32 = arith.constant 0 : i32
    %c0_i32_0 = arith.constant 0 : i32
    return %arg0, %c0_i32 : i32, i32
  }
  func.func @transform_2(%arg0: i32) -> (i32, i32) {
    %c0_i32 = arith.constant 0 : i32
    %c0_i32_0 = arith.constant 0 : i32
    %c0_i32_1 = arith.constant 0 : i32
    return %c0_i32, %c0_i32_0 : i32, i32
  }
  func.func @transform_3(%arg0: i32) -> (i32, i32) {
    %c0_i32 = arith.constant 0 : i32
    %c0_i32_0 = arith.constant 0 : i32
    %c0_i32_1 = arith.constant 0 : i32
    return %c0_i32, %c0_i32_0 : i32, i32
  }
  func.func @transform_4(%arg0: i32) -> (i32, i32) {
    %c0_i32 = arith.constant 0 : i32
    %c0_i32_0 = arith.constant 0 : i32
    %c0_i32_1 = arith.constant 0 : i32
    return %c0_i32, %c0_i32_0 : i32, i32
  }
  func.func @transform_5(%arg0: i32) -> (i32, i32) {
    %c0_i32 = arith.constant 0 : i32
    %c0_i32_0 = arith.constant 0 : i32
    %c0_i32_1 = arith.constant 0 : i32
    return %c0_i32, %c0_i32_0 : i32, i32
  }
  func.func @transform_6(%arg0: i32) -> (i32, i32) {
    %c0_i32 = arith.constant 0 : i32
    %c0_i32_0 = arith.constant 0 : i32
    return %arg0, %c0_i32 : i32, i32
  }
}

</mosaic_0001>

<sc_bundles>
// kernel: kernel.12.cloned.1.call-start
scs
__scs_entry_jumppad:
0x0: {  	(pc) =	sbr.rel $0x88, $3  }
0x1: {  	(tag) =	ssettag $0x0;
	lr =	simm.s32 $0x1  }
0x2: {  	[smem:$0x3F98] =	sst lr;
	_ =	strace $0xD0000000  }
0x3: {  	_ = 	snop  }
0x4: {  	_ = 	snop  }
0x5: {  	_ = 	snop  }
0x6: {  	_ = 	snop  }
0x7: {  	_ = 	snop  }
__scs_overlays_trampoline_lowered:
0x8: {  	[smem:$0x3FA7] =	sst s0  }
0x9: {  	[smem:$0x3FA8] =	sst s1  }
0xa: {  	[smem:$0x3FA9] =	sst s2  }
0xb: {  	[smem:$0x3FAA] =	sst s3  }
0xc: {  	[smem:$0x3FAB] =	sst s4  }
0xd: {  	[smem:$0x3FAC] =	sst s5  }
0xe: {  	[smem:$0x3FAD] =	sst s6  }
0xf: {  	[smem:$0x3FAE] =	sst s7  }
0x10: {  	[smem:$0x3FAF] =	sst s8  }
0x11: {  	[smem:$0x3FB0] =	sst s9;
	s0 =	simm.s32 @!p0 $0x0  }
0x12: {  	s1 =	sld [smem:$0x3F96];
	s0 =	simm.s32 @p0 $0x1  }
0x13: {  	[smem:$0x3FB1] =	sst s0;
	s0 =	simm.s32 @!p1 $0x0  }
0x14: {  	s2 =	sld [smem:$0x3F95];
	s0 =	simm.s32 @p1 $0x1  }
0x15: {  	[smem:$0x3FB2] =	sst s0;
	s0 =	simm.s32 @!p2 $0x0  }
0x16: {  	s3 =	sld [smem:$0x3FDB];
	s0 =	simm.s32 @p2 $0x1  }
0x17: {  	s4 =	simm.s32 $0x1BF5;
	[smem:$0x3FB4] =	sst s0  }
0x18: {  	s0 =	sld [smem:$0x3F97];
	_ =	swait.ge [sflag:s4], $0x0  }
0x19: {  	s7 =	sld [smem:$0x3F98]  }
0x1a: {  	s8 =	sadd.s32 $0xFFFFE003, lr  }
0x1b: {  	s9 =	sadd.s32 $0xFFFFFEF7, lr;
	s5 =	simm.s32 $0xFFFFFFFF;
	p2 =	slt.u32 s8, $0xFFFFF086  }
0x1c: {  	p1 =	slt.u32 s9, $0xF7A;
	s5 =	simm.s32 @!p2 $0x0  }
0x1d: {  	s5 =	simm.s32 @p1 $0x1;
	p0 =	seq.s32 s7, s2  }
0x1e: {  	s7 =	smul.u32 @!p0 $0xF7A, s2;
	p2 =	seq.s32 @!p0 s5, $0x0  }
0x1f: {  	s9 =	smul.u32 $0xF7A, s1;
	s8 =	simm.s32 @!p0 $0x1BF5;
	p2 =	por !p2, p0  }
0x20: {  	[sflag:s8] =	ssyncset.s32 @!p0 $0xFFFFF086;
	s6 =	sadd.s32 @!p0 s3, s7;
	s7 =	simm.s32 @!p0 $0x108  }
0x21: {  	s3 =	sadd.s32 s3, s9;
	s6 =	sadd.s32 @!p0 $0x88, s6;
	s7 =	simm.s32 @p2 $0x1082  }
0x22: {  	[simem:s7], [sflag:s8] =	dma.local @!p0 [hbm:s6], $0xF7A  }
0x23: {  	s9 =	sor.u32 $0xD0000000, s2;
	s6 =	simm.s32 $0x108;
	_ =	swait.ge @!p0 [sflag:s8], $0x0  }
0x24: {  	s3 =	sadd.s32 $0x88, s3;
	s6 =	simm.s32 @!p1 $0x1082;
	[sflag:s4] =	ssyncset.s32 $0xFFFFF086  }
0x25: {  	[simem:s6], [sflag:s4] =	dma.local [hbm:s3], $0xF7A  }
0x26: {  	[smem:$0x3F98] =	sst s1;
	(tag) =	ssettag s2;
	_ =	strace s9  }
0x27: {  	s1 =	sld [smem:$0x3FA8]  }
0x28: {  	s2 =	sld [smem:$0x3FA9]  }
0x29: {  	s4 =	sld [smem:$0x3FAB]  }
0x2a: {  	p0 =	seq.s32 s5, $0x0;
	s5 =	sld [smem:$0x3FAC]  }
0x2b: {  	s6 =	sld [smem:$0x3FAD]  }
0x2c: {  	s7 =	sld [smem:$0x3FAE]  }
0x2d: {  	s3 =	simm.s32 $0x108;
	s8 =	sld [smem:$0x3FAF]  }
0x2e: {  	s3 =	simm.s32 @!p0 $0x1082;
	s9 =	sld [smem:$0x3FB0]  }
0x2f: {  	lr =	sadd.s32 s0, s3;
	s0 =	sld [smem:$0x3FA7]  }
0x30: {  	s3 =	sld [smem:$0x3FAA]  }
0x31: {  	[smem:$0x3FB3] =	sst s10  }
0x32: {  	s10 =	sld [smem:$0x3FB1];
	_ =	sdelay $0x3  }
0x33: {  	p0 =	seq.s32 s10, $0x1;
	s10 =	sld [smem:$0x3FB3];
	_ =	sdelay $0x3  }
0x34: {  	[smem:$0x3FB3] =	sst s10  }
0x35: {  	s10 =	sld [smem:$0x3FB2];
	_ =	sdelay $0x3  }
0x36: {  	p1 =	seq.s32 s10, $0x1;
	s10 =	sld [smem:$0x3FB3];
	_ =	sdelay $0x3  }
0x37: {  	[smem:$0x3FB3] =	sst s10  }
0x38: {  	s10 =	sld [smem:$0x3FB4]  }
0x39: {  	_ = 	snop;
	(pc) =	sbr.ind lr, $3  }
0x3a: {  	_ = 	snop  }
0x3b: {  	_ = 	snop  }
0x3c: {  	p2 =	seq.s32 s10, $0x1;
	s10 =	sld [smem:$0x3FB3]  }
0x3d: {  	_ =	shalt  }
0x3e: {  	_ =	shalt  }
0x3f: {  	_ =	shalt  }
0x40: {  	_ =	shalt  }
0x41: {  	_ =	shalt  }
0x42: {  	_ =	shalt  }
0x43: {  	_ =	shalt  }
0x44: {  	_ =	shalt  }
0x45: {  	_ =	shalt  }
0x46: {  	_ =	shalt  }
0x47: {  	_ =	shalt  }
0x48: {  	_ =	shalt  }
0x49: {  	_ =	shalt  }
0x4a: {  	_ =	shalt  }
0x4b: {  	_ =	shalt  }
0x4c: {  	_ =	shalt  }
0x4d: {  	_ =	shalt  }
0x4e: {  	_ =	shalt  }
0x4f: {  	_ =	shalt  }
0x50: {  	_ =	shalt  }
0x51: {  	_ =	shalt  }
0x52: {  	_ =	shalt  }
0x53: {  	_ =	shalt  }
0x54: {  	_ =	shalt  }
0x55: {  	_ =	shalt  }
0x56: {  	_ =	shalt  }
0x57: {  	_ =	shalt  }
0x58: {  	_ =	shalt  }
0x59: {  	_ =	shalt  }
0x5a: {  	_ =	shalt  }
0x5b: {  	_ =	shalt  }
0x5c: {  	_ =	shalt  }
0x5d: {  	_ =	shalt  }
0x5e: {  	_ =	shalt  }
0x5f: {  	_ =	shalt  }
0x60: {  	_ =	shalt  }
0x61: {  	_ =	shalt  }
0x62: {  	_ =	shalt  }
0x63: {  	_ =	shalt  }
0x64: {  	_ =	shalt  }
0x65: {  	_ =	shalt  }
0x66: {  	_ =	shalt  }
0x67: {  	_ =	shalt  }
0x68: {  	_ =	shalt  }
0x69: {  	_ =	shalt  }
0x6a: {  	_ =	shalt  }
0x6b: {  	_ =	shalt  }
0x6c: {  	_ =	shalt  }
0x6d: {  	_ =	shalt  }
0x6e: {  	_ =	shalt  }
0x6f: {  	_ =	shalt  }
0x70: {  	_ =	shalt  }
0x71: {  	_ =	shalt  }
0x72: {  	_ =	shalt  }
0x73: {  	_ =	shalt  }
0x74: {  	_ =	shalt  }
0x75: {  	_ =	shalt  }
0x76: {  	_ =	shalt  }
0x77: {  	_ =	shalt  }
0x78: {  	_ =	shalt  }
0x79: {  	_ =	shalt  }
0x7a: {  	_ =	shalt  }
0x7b: {  	_ =	shalt  }
0x7c: {  	_ =	shalt  }
0x7d: {  	_ =	shalt  }
0x7e: {  	_ =	shalt  }
0x7f: {  	_ =	shalt  }
0x80: {  	_ =	shalt  }
0x81: {  	_ =	shalt  }
0x82: {  	_ =	shalt  }
0x83: {  	_ =	shalt  }
0x84: {  	_ =	shalt  }
0x85: {  	_ =	shalt  }
0x86: {  	_ =	shalt  }
0x87: {  	_ =	shalt  }
.Lfunc_end0:
.L_simem_size_0:
called_computation.2_lowered:
.L_overlay_start_0:
0x88: {  	s2 =	sld [smem:$0x3FD9]  }
0x89: {  	s3 =	sld [smem:$0x3FFE];
	_ =	sdelay $0x1  }
0x8a: {  	s1 =	srdreg.scid  }
0x8b: {  	s0 =	sand.u32 $0x1, s1  }
0x8c: {  	s14 =	sshll.u32 s0, $0xA;
	s2 =	sadd.s32 s3, s2  }
0x8d: {  	s2 =	sadd.s32 s2, s14  }
0x8e: {  	[smem:$0x3FBF] =	sst s2  }
0x8f: {  	_ = 	snop  }
0x90: {  	s2 =	sld [smem:$0x3FD0];
	_ =	sdelay $0x2  }
0x91: {  	s15 =	simm.s32 $0xB;
	s4 =	simm.s32 $0x10  }
0x92: {  	[smem:s4], [sflag:s15] =	dma.local [hbm:s2], $0x1  }
0x93: {  	_ =	swait.eq [sflag:s15], $0x1  }
0x94: {  	[sflag:s15] =	ssyncset.done $0x0  }
0x95: {  	[sflag:s15] =	ssyncadd.s32 $0xFFFFFFFF  }
0x96: {  	s16 =	sld [smem:$0x10];
	(tm) =	ssettm $0x1  }
0x97: {  	s17 =	sld [smem:$0x3FFB];
	_ =	sdelay $0x3  }
0x98: {  	_ =	strace s17  }
0x99: {  	s3 =	sld [smem:$0x3FFC];
	_ =	sdelay $0x3  }
0x9a: {  	_ =	strace s3  }
0x9b: {  	s3 =	sld [smem:$0x3FFD];
	_ =	sdelay $0x3  }
0x9c: {  	_ =	strace s3  }
0x9d: {  	_ =	strace $0x8FFFFFFF  }
0x9e: {  	s18 =	sld [smem:$0x3FDB];
	_ =	sdelay $0x1  }
0x9f: {  	s19 =	simm.s32 $_scs_section_size  }
0xa0: {  	s5 =	simm.s32 $_size__tile_overlayer_lowered;
	s6 =	simm.s32 $_tile_overlayer_lowered  }
0xa1: {  	s22 =	simm.s32 $0x1BFF;
	s21 =	sshll.u32 s6, $0x1;
	s3 =	sadd.s32 s19, s18  }
0xa2: {  	s7 =	simm.s32 $0x0;
	s20 =	sshll.u32 s5, $0x1;
	s5 =	sadd.s32 s21, s3  }
0xa3: {  	[timem:s7], [sflag:s22] =	dma.local [hbm:s5], s20  }
0xa4: {  	_ =	swait.ge [sflag:s22], s20  }
0xa5: {  	s4 =	ssub.s32 $0x0, s20;
	[sflag:s22] =	ssyncset.done $0x0  }
0xa6: {  	[sflag:s22] =	ssyncadd.s32 s4;
	_ =	sdelay $0x1  }
0xa7: {  	s23 =	simm.s32 $0x1B8B  }
0xa8: {  	_ =	swait.ge [sflag:s23], $0x1  }
0xa9: {  	[sflag:s23] =	ssyncset.done $0x0  }
0xaa: {  	s25 =	simm.s32 $0x1B8E;
	s24 =	sld [smem:$0x3FFE];
	[sflag:s23] =	ssyncadd.s32 $0xFFFFFFFF  }
0xab: {  	s26 =	simm.s32 $execute0_lowered;
	[smem:$0x3FD2] =	sst s25  }
0xac: {  	s5 =	sshll.u32 s26, $0x1;
	_ =	strace $0x8000004C;
	[dreg:$0x1] =	wrdreg $0xFFFFFFFF  }
0xad: {  	s28 =	simm.s32 $_size_execute0_lowered;
	s3 =	sadd.s32 s3, s5;
	[dreg:$0x0] =	wrdreg $0x0  }
0xae: {  	s5 =	sshll.u32 s28, $0x1;
	[dreg:$0x2] =	wrdreg s3  }
0xaf: {  	[dreg:$0x3] =	wrdreg s5  }
0xb0: {  	[dreg:$0x4] =	wrdreg $0xC0  }
0xb1: {  	_ =	task [dreg:s7], $0x5FFFF  }
0xb2: {  	[dreg:$0x1] =	wrdreg $0xFFFFFFFF  }
0xb3: {  	[dreg:$0x0] =	wrdreg $0x60  }
0xb4: {  	[dreg:$0x2] =	wrdreg s24  }
0xb5: {  	[dreg:$0x3] =	wrdreg s16  }
0xb6: {  	[dreg:$0x4] =	wrdreg $0x9  }
0xb7: {  	_ =	task.clear_ibuf [dreg:s7], $0x5FFFF;
	_ =	strace $0x9000004C  }
0xb8: {  	s29 =	simm.s32 $0x9;
	_ =	strace $0x8000004E  }
0xb9: {  	_ =	swait.ge [sflag:s29], $0x1  }
0xba: {  	[sflag:s29] =	ssyncadd.s32 $0xFFFFFFFF  }
0xbb: {  	_ =	strace $0x9000004E  }
0xbc: {  	_ =	sfence  }
0xbd: {  	s30 =	sld [smem:$0x0];
	_ =	sdelay $0x2  }
0xbe: {  	s31 =	sshll.u32 s1, $0xD;
	s1 =	sshrl.u32 s1, $0x2  }
0xbf: {  	s3 =	sand.u32 $0x4000, s31;
	s1 =	sadd.s32 s1, s30  }
0xc0: {  	s0 =	sor.u32 s3, s0;
	s1 =	sshll.u32 s1, $0x11  }
0xc1: {  	s0 =	sor.u32 s1, s0  }
0xc2: {  	s0 =	sadd.s32 $0x8F2B, s0  }
0xc3: {  	[sflag:s0] =	ssyncadd.remote.s32 $0x1  }
0xc4: {  	_ =	sfence.sel $0xFFFF  }
0xc5: {  	[dreg:$0x0] =	wrdreg $0xFFFFFFFF;
	(pc) =	sbr.abs _section_cstart, $3  }
0xc6: {  	[dreg:$0x1] =	wrdreg $0xFFFFFFFF  }
0xc7: {  	_ =	task.clear_ibuf [dreg:s7], $0x2FFFF;
	_ =	strace $0x9FFFFFFF  }
0xc8: {  	(tm) =	ssettm $0x7FFFFFFF  }
0xc9: {  	_ =	shalt  }
tec
execute0_lowered:
.L_overlay_start_1:
0x0: {  	(tag) =	ssettag $0x1  }
0x1: {  	s1 =	srdreg.scid;
	s0 =	stileid.u32  }
0x2: {  	s6 =	sand.u32 $0x1, s1;
	s4 =	sshll.u32 s0, $0x1  }
0x3: {  	s7 =	sor.u32 s6, s4  }
0x4: {  	p0 =	sgt.u32 s7, $0x18  }
.Ltmp0:
0x5: {  	_ = 	snop;
	(pc) =	sbr.rel @p0 .LBB2_7-.Ltmp0, $4  }
0x6: {  	s5 =	rddreg [dreg:$0x0]  }
0x7: {  	s2 =	rddreg [dreg:$0x1];
	s3 =	simm.s32 $0x0  }
0x8: {  	[smem:$0x7FF] =	sst s3  }
0x9: {  	s1 =	rddreg [dreg:$0x2];
	_ =	strace $0x8000004D  }
0xa: {  	s4 =	sadd.s32 $0x2800, s5;
	s8 =	sadd.s32 $0x42800, s5;
	s9 =	sadd.s32 $0x45A00, s5  }
0xb: {  	s30 =	sadd.s32 $0x48C00, s5;
	s6 =	ssub.s32 $0x2, s6;
	s11 =	sshll.u32 s7, $0x1  }
0xc: {  	s31 =	sshll.u32 s7, $0x9;
	s12 =	simm.s32 $0x2;
	s13 =	simm.s32 $0x3  }
.Ltmp1:
0xd: {  	s14 =	simm.s32 $0x200;
	s15 =	simm.s32 $0x2080;
	(pc) =	sbr.rel .LBB2_2-.Ltmp1, $4  }
0xe: {  	s16 =	simm.s32 $0x4;
	s17 =	simm.s32 $0x5;
	s18 =	simm.s32 $0x0  }
0xf: {  	s10 =	sshrl.u32 s6, $0x1;
	s5 =	sadd.s32 s30, s11;
	s7 =	sadd.s32 s8, s31  }
0x10: {  	s11 =	simm.s32 $0x1;
	s10 =	ssub.s32 s6, s10;
	s6 =	sadd.s32 s9, s31  }
0x11: {  	s9 =	simm.s32 $0x1000;
	s8 =	smax.u32 s10, $0x1;
	s10 =	simm.s32 $0x2000  }
.LBB2_5:
0x12: {  	[sflag:s17] =	ssyncadd.s32 $0xFFFF0000  }
.LBB2_6:
0x13: {  	s18 =	sadd.s32 $0x1, s18  }
0x14: {  	p0 =	sne.s32 s18, s8  }
.Ltmp2:
0x15: {  	_ = 	snop;
	(pc) =	sbr.rel @!p0 .LBB2_7-.Ltmp2, $1  }
0x16: {  	_ =	sdelay $0x3  }
.LBB2_2:
0x17: {  	[tilespmem:s3], [sflag:$0x1] =	stream.linear.gather [hbm4b:s7+s3], $0x1000, $0x38;
	[tilespmem:$0x12080] =	vst v63  }
0x18: {  	_ = 	snop  }
0x19: {  	[tilespmem:s9], [sflag:$0x2] =	stream.linear.gather [hbm4b:s6+s3], $0x1000, $0x38;
	[tilespmem:$0x12080] =	vst v63  }
0x1a: {  	_ = 	snop  }
0x1b: {  	[tilespmem:s10], [sflag:$0x3] =	stream.linear.gather [hbm4b:s5+s3], $0x10, $0x38;
	[tilespmem:$0x12080] =	vst v63  }
0x1c: {  	_ =	swait.ge [sflag:s11], $0x1000  }
0x1d: {  	[sflag:s11] =	ssyncset.done $0x0  }
0x1e: {  	[sflag:s11] =	ssyncadd.s32 $0xFFFFF000  }
0x1f: {  	_ =	swait.ge [sflag:s12], $0x1000  }
0x20: {  	[sflag:s12] =	ssyncset.done $0x0  }
0x21: {  	[sflag:s12] =	ssyncadd.s32 $0xFFFFF000  }
0x22: {  	_ =	swait.ge [sflag:s13], $0x10  }
0x23: {  	[sflag:s13] =	ssyncset.done $0x0  }
0x24: {  	[sflag:s13] =	ssyncadd.s32 $0xFFFFFFF0  }
0x25: {  	v0 =	vld [tilespmem:$0x2000];
	_ =	sdelay $0x4  }
0x26: {  	v0 =	vxor.u32 $0x80000000, v0  }
0x27: {  	(xrf0) =	vmax.scan.msk.u32 $0xffff, v0;
	_ =	sdelay $0x5  }
0x28: {  	v0, _, _ =	vpop (xrf0)  }
0x29: {  	(v2sf) =	vpush v0, $0xF;
	_ =	sdelay $0xe  }
0x2a: {  	s19 =	spop (v2sf)  }
0x2b: {  	p0 =	slt.u32 s19, $0x80000001  }
0x2c: {  	s19 =	sadd.s32 @!p0 $0x800001FF, s19  }
0x2d: {  	s20 =	sand.u32 @!p0 $0x1FF, s19  }
0x2e: {  	p1 =	slt.s32 @!p0 s19, $0x1;
	p2 =	sne.s32 @!p0 s20, $0x0  }
0x2f: {  	s20 =	sshra.s32 @!p0 s19, $0x1F;
	p1 =	por @!p0 !p1, !p2  }
0x30: {  	s20 =	sshrl.u32 @!p0 s20, $0x17;
	p1 =	por @!p0 !p1, !p1  }
0x31: {  	s19 =	sadd.s32 @!p0 s20, s19;
	s20 =	simm.s32 @!p0 $0x1;
	p1 =	por !p1, p0  }
0x32: {  	s19 =	sshrl.u32 @!p0 s19, $0x9;
	s20 =	simm.s32 @p1 $0x0  }
0x33: {  	s19 =	ssub.s32 @!p0 s19, s20  }
0x34: {  	s19 =	sshll.u32 @!p0 s19, $0x9  }
0x35: {  	s21 =	sshra.s32 @!p0 s19, $0x9  }
0x36: {  	p1 =	slt.s32 @!p0 s21, $0x1  }
0x37: {  	p1 =	por p0, p1  }
.Ltmp3:
0x38: {  	_ = 	snop;
	(pc) =	sbr.rel @p1 .LBB2_6-.Ltmp3, $1  }
0x39: {  	_ =	sdelay $0x3  }
0x3a: {  	s19 =	simm.s32 @!p0 $0x1000  }
0x3b: {  	[tilespmem:s15], [sflag:$0x4] =	stream.indirect.gather [hbm4b:s4+s14], $0x80, s19, s14, $0xb8;
	[tilespmem:$0x12080] =	vst v63  }
0x3c: {  	s20 =	simm.s32 @!p0 $0x0;
	p0 =	sne.s32 s21, $0x1;
	_ =	swait.ge [sflag:s16], $0x10000  }
.Ltmp4:
0x3d: {  	[sflag:s16] =	ssyncset.done $0x0;
	(pc) =	sbr.rel @!p0 .LBB2_5-.Ltmp4, $4  }
0x3e: {  	[sflag:s16] =	ssyncadd.s32 $0xFFFF0000  }
0x3f: {  	[hbm4b:s2+s14] =	stream.indirect.scatter [tilespmem:s15], [sflag:$0x5], $0x80, s20, s14, $0xb8;
	[tilespmem:$0x12080] =	vst v63  }
0x40: {  	_ =	swait.ge [sflag:s17], $0x10000  }
0x41: {  	s21 =	sadd.s32 $0xFFFFFFFF, s21;
	[sflag:s17] =	ssyncset.done $0x0  }
.LBB2_4:
0x42: {  	[sflag:s17] =	ssyncadd.s32 $0xFFFF0000;
	s19 =	sadd.s32 $0x200, s19;
	s20 =	sadd.s32 $0x200, s20  }
0x43: {  	[tilespmem:s15], [sflag:$0x4] =	stream.indirect.gather [hbm4b:s4+s14], $0x80, s19, s14, $0xb8;
	[tilespmem:$0x12080] =	vst v63  }
0x44: {  	p0 =	sne.s32 s21, $0x1;
	s21 =	sadd.s32 $0xFFFFFFFF, s21;
	_ =	swait.ge [sflag:s16], $0x10000  }
.Ltmp5:
0x45: {  	[sflag:s16] =	ssyncset.done $0x0;
	(pc) =	sbr.rel @p0 .LBB2_4-.Ltmp5, $4  }
0x46: {  	[sflag:s16] =	ssyncadd.s32 $0xFFFF0000  }
0x47: {  	[hbm4b:s2+s14] =	stream.indirect.scatter [tilespmem:s15], [sflag:$0x5], $0x80, s20, s14, $0xb8;
	[tilespmem:$0x12080] =	vst v63  }
0x48: {  	_ =	swait.ge [sflag:s17], $0x10000  }
0x49: {  	[sflag:s17] =	ssyncset.done $0x0  }
.Ltmp6:
0x4a: {  	_ = 	snop;
	(pc) =	sbr.rel .LBB2_5-.Ltmp6, $1  }
0x4b: {  	_ =	sdelay $0x3  }
.LBB2_7:
0x4c: {  	_ =	sfence.sel $0x180000  }
0x4d: {  	[bflag:$0x0] =	sbarrier.arrive $0xFFFF  }
0x4e: {  	p0 =	sne.s32 s0, $0x0;
	_ =	strace $0x9000004D  }
0x4f: {  	s0 =	sadd.s32 @!p0 $0x100000, s1;
	[bflag:$0x2] =	sbarrier.arrive $0xFFFF  }
0x50: {  	[sflag:s0] =	ssyncadd.tile.s32 @!p0 $0x1;
	_ =	shalt  }
.Lfunc_end2:
_tile_overlayer_lowered:
.L_overlay_start_2:
0x51: {  	(tag) =	ssettag $0x2  }
0x52: {  	s0 =	rddreg [dreg:$0x0];
	s2 =	stileid.u32  }
0x53: {  	s1 =	rddreg [dreg:$0x1];
	p0 =	sne.s32 s2, $0x0  }
0x54: {  	s3 =	rddreg [dreg:$0x2];
	[bflag:$0x3] =	sbarrier.arrive $0xFFFF;
	s2 =	simm.s32 @!p0 $0x1C06  }
0x55: {  	[timem:s3], [sflag:s2] =	dma.local @!p0 [hbm:s0], s1  }
0x56: {  	s0 =	simm.s32 @!p0 $0x6  }
0x57: {  	_ =	swait.ge @!p0 [sflag:s0], s1  }
0x58: {  	s1 =	ssub.s32 @!p0 $0x0, s1;
	[sflag:s0] =	ssyncset.done @!p0 $0x0  }
0x59: {  	[sflag:s0] =	ssyncadd.s32 @!p0 s1  }
0x5a: {  	[bflag:$0x3] =	sbarrier.arrive $0xFFFF  }
0x5b: {  	_ =	shalt  }

// kernel: kernel.6.cloned.1.call-start
scs
__scs_entry_jumppad:
0x0: {  	(pc) =	sbr.rel $0x88, $3  }
0x1: {  	(tag) =	ssettag $0x0;
	lr =	simm.s32 $0x1  }
0x2: {  	[smem:$0x3F98] =	sst lr;
	_ =	strace $0xD0000000  }
0x3: {  	_ = 	snop  }
0x4: {  	_ = 	snop  }
0x5: {  	_ = 	snop  }
0x6: {  	_ = 	snop  }
0x7: {  	_ = 	snop  }
__scs_overlays_trampoline_lowered:
0x8: {  	[smem:$0x3FA7] =	sst s0  }
0x9: {  	[smem:$0x3FA8] =	sst s1  }
0xa: {  	[smem:$0x3FA9] =	sst s2  }
0xb: {  	[smem:$0x3FAA] =	sst s3  }
0xc: {  	[smem:$0x3FAB] =	sst s4  }
0xd: {  	[smem:$0x3FAC] =	sst s5  }
0xe: {  	[smem:$0x3FAD] =	sst s6  }
0xf: {  	[smem:$0x3FAE] =	sst s7  }
0x10: {  	[smem:$0x3FAF] =	sst s8  }
0x11: {  	[smem:$0x3FB0] =	sst s9;
	s0 =	simm.s32 @!p0 $0x0  }
0x12: {  	s1 =	sld [smem:$0x3F96];
	s0 =	simm.s32 @p0 $0x1  }
0x13: {  	[smem:$0x3FB1] =	sst s0;
	s0 =	simm.s32 @!p1 $0x0  }
0x14: {  	s2 =	sld [smem:$0x3F95];
	s0 =	simm.s32 @p1 $0x1  }
0x15: {  	[smem:$0x3FB2] =	sst s0;
	s0 =	simm.s32 @!p2 $0x0  }
0x16: {  	s3 =	sld [smem:$0x3FDB];
	s0 =	simm.s32 @p2 $0x1  }
0x17: {  	s4 =	simm.s32 $0x1BF5;
	[smem:$0x3FB4] =	sst s0  }
0x18: {  	s0 =	sld [smem:$0x3F97];
	_ =	swait.ge [sflag:s4], $0x0  }
0x19: {  	s7 =	sld [smem:$0x3F98]  }
0x1a: {  	s8 =	sadd.s32 $0xFFFFE003, lr  }
0x1b: {  	s9 =	sadd.s32 $0xFFFFFEF7, lr;
	s5 =	simm.s32 $0xFFFFFFFF;
	p2 =	slt.u32 s8, $0xFFFFF086  }
0x1c: {  	p1 =	slt.u32 s9, $0xF7A;
	s5 =	simm.s32 @!p2 $0x0  }
0x1d: {  	s5 =	simm.s32 @p1 $0x1;
	p0 =	seq.s32 s7, s2  }
0x1e: {  	s7 =	smul.u32 @!p0 $0xF7A, s2;
	p2 =	seq.s32 @!p0 s5, $0x0  }
0x1f: {  	s9 =	smul.u32 $0xF7A, s1;
	s8 =	simm.s32 @!p0 $0x1BF5;
	p2 =	por !p2, p0  }
0x20: {  	[sflag:s8] =	ssyncset.s32 @!p0 $0xFFFFF086;
	s6 =	sadd.s32 @!p0 s3, s7;
	s7 =	simm.s32 @!p0 $0x108  }
0x21: {  	s3 =	sadd.s32 s3, s9;
	s6 =	sadd.s32 @!p0 $0x88, s6;
	s7 =	simm.s32 @p2 $0x1082  }
0x22: {  	[simem:s7], [sflag:s8] =	dma.local @!p0 [hbm:s6], $0xF7A  }
0x23: {  	s9 =	sor.u32 $0xD0000000, s2;
	s6 =	simm.s32 $0x108;
	_ =	swait.ge @!p0 [sflag:s8], $0x0  }
0x24: {  	s3 =	sadd.s32 $0x88, s3;
	s6 =	simm.s32 @!p1 $0x1082;
	[sflag:s4] =	ssyncset.s32 $0xFFFFF086  }
0x25: {  	[simem:s6], [sflag:s4] =	dma.local [hbm:s3], $0xF7A  }
0x26: {  	[smem:$0x3F98] =	sst s1;
	(tag) =	ssettag s2;
	_ =	strace s9  }
0x27: {  	s1 =	sld [smem:$0x3FA8]  }
0x28: {  	s2 =	sld [smem:$0x3FA9]  }
0x29: {  	s4 =	sld [smem:$0x3FAB]  }
0x2a: {  	p0 =	seq.s32 s5, $0x0;
	s5 =	sld [smem:$0x3FAC]  }
0x2b: {  	s6 =	sld [smem:$0x3FAD]  }
0x2c: {  	s7 =	sld [smem:$0x3FAE]  }
0x2d: {  	s3 =	simm.s32 $0x108;
	s8 =	sld [smem:$0x3FAF]  }
0x2e: {  	s3 =	simm.s32 @!p0 $0x1082;
	s9 =	sld [smem:$0x3FB0]  }
0x2f: {  	lr =	sadd.s32 s0, s3;
	s0 =	sld [smem:$0x3FA7]  }
0x30: {  	s3 =	sld [smem:$0x3FAA]  }
0x31: {  	[smem:$0x3FB3] =	sst s10  }
0x32: {  	s10 =	sld [smem:$0x3FB1];
	_ =	sdelay $0x3  }
0x33: {  	p0 =	seq.s32 s10, $0x1;
	s10 =	sld [smem:$0x3FB3];
	_ =	sdelay $0x3  }
0x34: {  	[smem:$0x3FB3] =	sst s10  }
0x35: {  	s10 =	sld [smem:$0x3FB2];
	_ =	sdelay $0x3  }
0x36: {  	p1 =	seq.s32 s10, $0x1;
	s10 =	sld [smem:$0x3FB3];
	_ =	sdelay $0x3  }
0x37: {  	[smem:$0x3FB3] =	sst s10  }
0x38: {  	s10 =	sld [smem:$0x3FB4]  }
0x39: {  	_ = 	snop;
	(pc) =	sbr.ind lr, $3  }
0x3a: {  	_ = 	snop  }
0x3b: {  	_ = 	snop  }
0x3c: {  	p2 =	seq.s32 s10, $0x1;
	s10 =	sld [smem:$0x3FB3]  }
0x3d: {  	_ =	shalt  }
0x3e: {  	_ =	shalt  }
0x3f: {  	_ =	shalt  }
0x40: {  	_ =	shalt  }
0x41: {  	_ =	shalt  }
0x42: {  	_ =	shalt  }
0x43: {  	_ =	shalt  }
0x44: {  	_ =	shalt  }
0x45: {  	_ =	shalt  }
0x46: {  	_ =	shalt  }
0x47: {  	_ =	shalt  }
0x48: {  	_ =	shalt  }
0x49: {  	_ =	shalt  }
0x4a: {  	_ =	shalt  }
0x4b: {  	_ =	shalt  }
0x4c: {  	_ =	shalt  }
0x4d: {  	_ =	shalt  }
0x4e: {  	_ =	shalt  }
0x4f: {  	_ =	shalt  }
0x50: {  	_ =	shalt  }
0x51: {  	_ =	shalt  }
0x52: {  	_ =	shalt  }
0x53: {  	_ =	shalt  }
0x54: {  	_ =	shalt  }
0x55: {  	_ =	shalt  }
0x56: {  	_ =	shalt  }
0x57: {  	_ =	shalt  }
0x58: {  	_ =	shalt  }
0x59: {  	_ =	shalt  }
0x5a: {  	_ =	shalt  }
0x5b: {  	_ =	shalt  }
0x5c: {  	_ =	shalt  }
0x5d: {  	_ =	shalt  }
0x5e: {  	_ =	shalt  }
0x5f: {  	_ =	shalt  }
0x60: {  	_ =	shalt  }
0x61: {  	_ =	shalt  }
0x62: {  	_ =	shalt  }
0x63: {  	_ =	shalt  }
0x64: {  	_ =	shalt  }
0x65: {  	_ =	shalt  }
0x66: {  	_ =	shalt  }
0x67: {  	_ =	shalt  }
0x68: {  	_ =	shalt  }
0x69: {  	_ =	shalt  }
0x6a: {  	_ =	shalt  }
0x6b: {  	_ =	shalt  }
0x6c: {  	_ =	shalt  }
0x6d: {  	_ =	shalt  }
0x6e: {  	_ =	shalt  }
0x6f: {  	_ =	shalt  }
0x70: {  	_ =	shalt  }
0x71: {  	_ =	shalt  }
0x72: {  	_ =	shalt  }
0x73: {  	_ =	shalt  }
0x74: {  	_ =	shalt  }
0x75: {  	_ =	shalt  }
0x76: {  	_ =	shalt  }
0x77: {  	_ =	shalt  }
0x78: {  	_ =	shalt  }
0x79: {  	_ =	shalt  }
0x7a: {  	_ =	shalt  }
0x7b: {  	_ =	shalt  }
0x7c: {  	_ =	shalt  }
0x7d: {  	_ =	shalt  }
0x7e: {  	_ =	shalt  }
0x7f: {  	_ =	shalt  }
0x80: {  	_ =	shalt  }
0x81: {  	_ =	shalt  }
0x82: {  	_ =	shalt  }
0x83: {  	_ =	shalt  }
0x84: {  	_ =	shalt  }
0x85: {  	_ =	shalt  }
0x86: {  	_ =	shalt  }
0x87: {  	_ =	shalt  }
.Lfunc_end0:
.L_simem_size_0:
called_computation_lowered:
.L_overlay_start_0:
0x88: {  	s2 =	sld [smem:$0x3FD9]  }
0x89: {  	s3 =	sld [smem:$0x3FFE];
	_ =	sdelay $0x1  }
0x8a: {  	s1 =	srdreg.scid  }
0x8b: {  	s0 =	sand.u32 $0x1, s1  }
0x8c: {  	s14 =	sshll.u32 s0, $0xA;
	s2 =	sadd.s32 s3, s2  }
0x8d: {  	s2 =	sadd.s32 s2, s14  }
0x8e: {  	[smem:$0x3FBF] =	sst s2  }
0x8f: {  	_ = 	snop  }
0x90: {  	s2 =	sld [smem:$0x3FD0];
	_ =	sdelay $0x2  }
0x91: {  	s4 =	simm.s32 $0xB;
	s5 =	simm.s32 $0x10;
	s15 =	sld [smem:$0x3FC9]  }
0x92: {  	[smem:s5], [sflag:s4] =	dma.local [hbm:s2], $0x1  }
0x93: {  	_ =	swait.eq [sflag:s4], $0x1  }
0x94: {  	[sflag:s4] =	ssyncset.done $0x0  }
0x95: {  	[sflag:s4] =	ssyncadd.s32 $0xFFFFFFFF  }
0x96: {  	s16 =	sld [smem:$0x10];
	(tm) =	ssettm $0x1  }
0x97: {  	s17 =	sld [smem:$0x3FFB];
	_ =	sdelay $0x3  }
0x98: {  	_ =	strace s17  }
0x99: {  	s4 =	sld [smem:$0x3FFC];
	_ =	sdelay $0x3  }
0x9a: {  	_ =	strace s4  }
0x9b: {  	s4 =	sld [smem:$0x3FFD];
	_ =	sdelay $0x3  }
0x9c: {  	_ =	strace s4  }
0x9d: {  	_ =	strace $0x8FFFFFFF  }
0x9e: {  	s18 =	sld [smem:$0x3FDB];
	_ =	sdelay $0x1  }
0x9f: {  	s19 =	simm.s32 $_scs_section_size  }
0xa0: {  	s6 =	simm.s32 $_size__tile_overlayer_lowered;
	s7 =	simm.s32 $_tile_overlayer_lowered  }
0xa1: {  	s22 =	simm.s32 $0x1BFF;
	s21 =	sshll.u32 s7, $0x1;
	s4 =	sadd.s32 s19, s18  }
0xa2: {  	s8 =	simm.s32 $0x0;
	s20 =	sshll.u32 s6, $0x1;
	s6 =	sadd.s32 s21, s4  }
0xa3: {  	[timem:s8], [sflag:s22] =	dma.local [hbm:s6], s20  }
0xa4: {  	_ =	swait.ge [sflag:s22], s20  }
0xa5: {  	s5 =	ssub.s32 $0x0, s20;
	[sflag:s22] =	ssyncset.done $0x0  }
0xa6: {  	[sflag:s22] =	ssyncadd.s32 s5;
	_ =	sdelay $0x1  }
0xa7: {  	s23 =	simm.s32 $0x1B8B  }
0xa8: {  	_ =	swait.ge [sflag:s23], $0x1  }
0xa9: {  	[sflag:s23] =	ssyncset.done $0x0  }
0xaa: {  	s25 =	simm.s32 $0x1B8E;
	s24 =	sld [smem:$0x3FFE];
	[sflag:s23] =	ssyncadd.s32 $0xFFFFFFFF  }
0xab: {  	s26 =	simm.s32 $execute0_lowered;
	[smem:$0x3FD2] =	sst s25  }
0xac: {  	s6 =	sshll.u32 s26, $0x1;
	_ =	strace $0x80000046;
	[dreg:$0x1] =	wrdreg $0xFFFFFFFF  }
0xad: {  	s28 =	simm.s32 $_size_execute0_lowered;
	s4 =	sadd.s32 s4, s6;
	[dreg:$0x0] =	wrdreg $0x0  }
0xae: {  	s6 =	sshll.u32 s28, $0x1;
	[dreg:$0x2] =	wrdreg s4  }
0xaf: {  	[dreg:$0x3] =	wrdreg s6  }
0xb0: {  	[dreg:$0x4] =	wrdreg $0xC0  }
0xb1: {  	_ =	task [dreg:s8], $0x5FFFF  }
0xb2: {  	[dreg:$0x1] =	wrdreg $0xFFFFFFFF  }
0xb3: {  	[dreg:$0x0] =	wrdreg $0x60  }
0xb4: {  	[dreg:$0x2] =	wrdreg s16  }
0xb5: {  	[dreg:$0x3] =	wrdreg s15  }
0xb6: {  	[dreg:$0x4] =	wrdreg s24  }
0xb7: {  	[dreg:$0x5] =	wrdreg $0x9  }
0xb8: {  	_ =	task.clear_ibuf [dreg:s8], $0x6FFFF;
	_ =	strace $0x90000046  }
0xb9: {  	s29 =	simm.s32 $0x9;
	_ =	strace $0x80000048  }
0xba: {  	_ =	swait.ge [sflag:s29], $0x1  }
0xbb: {  	[sflag:s29] =	ssyncadd.s32 $0xFFFFFFFF  }
0xbc: {  	_ =	strace $0x90000048  }
0xbd: {  	_ =	sfence  }
0xbe: {  	s30 =	sld [smem:$0x0];
	_ =	sdelay $0x2  }
0xbf: {  	s31 =	sshll.u32 s1, $0xD;
	s1 =	sshrl.u32 s1, $0x2  }
0xc0: {  	s3 =	sand.u32 $0x4000, s31;
	s1 =	sadd.s32 s1, s30  }
0xc1: {  	s0 =	sor.u32 s3, s0;
	s1 =	sshll.u32 s1, $0x11  }
0xc2: {  	s0 =	sor.u32 s1, s0  }
0xc3: {  	s0 =	sadd.s32 $0x8F2B, s0  }
0xc4: {  	[sflag:s0] =	ssyncadd.remote.s32 $0x1  }
0xc5: {  	_ =	sfence.sel $0xFFFF  }
0xc6: {  	[dreg:$0x0] =	wrdreg $0xFFFFFFFF;
	(pc) =	sbr.abs _section_cstart, $3  }
0xc7: {  	[dreg:$0x1] =	wrdreg $0xFFFFFFFF  }
0xc8: {  	_ =	task.clear_ibuf [dreg:s8], $0x2FFFF;
	_ =	strace $0x9FFFFFFF  }
0xc9: {  	(tm) =	ssettm $0x7FFFFFFF  }
tec
execute0_lowered:
.L_overlay_start_1:
0x0: {  	(tag) =	ssettag $0x1  }
0x1: {  	s1 =	rddreg [dreg:$0x0];
	s2 =	srdreg.scid  }
0x2: {  	s4 =	rddreg [dreg:$0x1];
	s0 =	stileid.u32  }
0x3: {  	s8 =	rddreg [dreg:$0x2];
	s3 =	simm.s32 $0x0;
	s6 =	sand.u32 $0x1, s2  }
0x4: {  	s5 =	sshll.u32 s0, $0xA;
	s2 =	rddreg [dreg:$0x3];
	s7 =	sshll.u32 s6, $0x9  }
0x5: {  	[smem:$0x7FF] =	sst s3;
	s9 =	sor.u32 s7, s5  }
0x6: {  	_ =	strace $0x80000047;
	s10 =	ssub.s32 $0x2, s6;
	s5 =	sshrl.u32 s9, $0x3  }
0x7: {  	s6 =	simm.s32 $0x200;
	s5 =	sadd.s32 s4, s5;
	s4 =	simm.s32 $0x2  }
0x8: {  	[tilespmem:s3], [sflag:$0x2] =	stream.linear.gather [hbm4b:s5+s3], $0x200, $0x38;
	[tilespmem:$0x10200] =	vst v63  }
0x9: {  	s7 =	simm.s32 $0x1;
	s11 =	sshrl.u32 s10, $0x1;
	_ =	swait.ge [sflag:s4], $0x200  }
0xa: {  	s9 =	sshll.u32 s9, $0x4;
	s31 =	ssub.s32 s10, s11;
	[sflag:s4] =	ssyncset.done $0x0  }
0xb: {  	s8 =	sadd.s32 s9, s8;
	s9 =	smax.u32 s31, $0x1;
	[sflag:s4] =	ssyncadd.s32 $0xFFFFFE00  }
0xc: {  	[tilespmem:s6], [sflag:$0x1] =	stream.indirect.gather [hbm4b:s1+s6], $0x80, s3, s6, $0xb8;
	[tilespmem:$0x10200] =	vst v63  }
0xd: {  	p0 =	sne.s32 s9, $0x1;
	_ =	swait.ge [sflag:s7], $0x10000  }
.Ltmp0:
0xe: {  	[sflag:s7] =	ssyncset.done $0x0;
	(pc) =	sbr.rel @!p0 .LBB2_2-.Ltmp0, $4  }
0xf: {  	s8 =	sadd.s32 $0x2800, s8;
	[sflag:s7] =	ssyncadd.s32 $0xFFFF0000  }
0x10: {  	[hbm4b:s8+s3] =	stream.linear.scatter [tilespmem:s6], [sflag:$0x2], $0x10000, $0x38;
	[tilespmem:$0x10200] =	vst v63  }
0x11: {  	_ =	swait.ge [sflag:s4], $0x10000  }
0x12: {  	s9 =	sadd.s32 $0xFFFFFFFF, s9;
	[sflag:s4] =	ssyncset.done $0x0  }
.LBB2_1:
0x13: {  	p0 =	sne.s32 s9, $0x1;
	s9 =	sadd.s32 $0xFFFFFFFF, s9;
	[sflag:s4] =	ssyncadd.s32 $0xFFFF0000  }
0x14: {  	[tilespmem:s3], [sflag:$0x2] =	stream.linear.gather [hbm4b:s5+s3], $0x200, $0x38;
	[tilespmem:$0x10200] =	vst v63  }
0x15: {  	_ =	swait.ge [sflag:s4], $0x200  }
0x16: {  	[sflag:s4] =	ssyncset.done $0x0  }
0x17: {  	[sflag:s4] =	ssyncadd.s32 $0xFFFFFE00  }
0x18: {  	[tilespmem:s6], [sflag:$0x1] =	stream.indirect.gather [hbm4b:s1+s6], $0x80, s3, s6, $0xb8;
	[tilespmem:$0x10200] =	vst v63  }
0x19: {  	_ =	swait.ge [sflag:s7], $0x10000  }
.Ltmp1:
0x1a: {  	[sflag:s7] =	ssyncset.done $0x0;
	(pc) =	sbr.rel @p0 .LBB2_1-.Ltmp1, $4  }
0x1b: {  	[sflag:s7] =	ssyncadd.s32 $0xFFFF0000  }
0x1c: {  	[hbm4b:s8+s3] =	stream.linear.scatter [tilespmem:s6], [sflag:$0x2], $0x10000, $0x38;
	[tilespmem:$0x10200] =	vst v63  }
0x1d: {  	_ =	swait.ge [sflag:s4], $0x10000  }
0x1e: {  	[sflag:s4] =	ssyncset.done $0x0  }
.LBB2_2:
0x1f: {  	[sflag:s4] =	ssyncadd.s32 $0xFFFF0000  }
0x20: {  	_ =	sfence.sel $0x180000  }
0x21: {  	[bflag:$0x0] =	sbarrier.arrive $0xFFFF  }
0x22: {  	p0 =	sne.s32 s0, $0x0;
	_ =	strace $0x90000047  }
0x23: {  	s0 =	sadd.s32 @!p0 $0x100000, s2;
	[bflag:$0x2] =	sbarrier.arrive $0xFFFF  }
0x24: {  	[sflag:s0] =	ssyncadd.tile.s32 @!p0 $0x1;
	_ =	shalt  }
.Lfunc_end2:
_tile_overlayer_lowered:
.L_overlay_start_2:
0x25: {  	(tag) =	ssettag $0x2  }
0x26: {  	s0 =	rddreg [dreg:$0x0];
	s2 =	stileid.u32  }
0x27: {  	s1 =	rddreg [dreg:$0x1];
	p0 =	sne.s32 s2, $0x0  }
0x28: {  	s3 =	rddreg [dreg:$0x2];
	[bflag:$0x3] =	sbarrier.arrive $0xFFFF;
	s2 =	simm.s32 @!p0 $0x1C02  }
0x29: {  	[timem:s3], [sflag:s2] =	dma.local @!p0 [hbm:s0], s1  }
0x2a: {  	s0 =	simm.s32 @!p0 $0x2  }
0x2b: {  	_ =	swait.ge @!p0 [sflag:s0], s1  }
0x2c: {  	s1 =	ssub.s32 @!p0 $0x0, s1;
	[sflag:s0] =	ssyncset.done @!p0 $0x0  }
0x2d: {  	[sflag:s0] =	ssyncadd.s32 @!p0 s1  }
0x2e: {  	[bflag:$0x3] =	sbarrier.arrive $0xFFFF  }
0x2f: {  	_ =	shalt  }

// kernel: kernel.9.cloned.1.call-start
scs
__scs_entry_jumppad:
0x0: {  	(pc) =	sbr.rel $0x88, $3  }
0x1: {  	(tag) =	ssettag $0x0;
	lr =	simm.s32 $0x1  }
0x2: {  	[smem:$0x3F98] =	sst lr;
	_ =	strace $0xD0000000  }
0x3: {  	_ = 	snop  }
0x4: {  	_ = 	snop  }
0x5: {  	_ = 	snop  }
0x6: {  	_ = 	snop  }
0x7: {  	_ = 	snop  }
__scs_overlays_trampoline_lowered:
0x8: {  	[smem:$0x3FA7] =	sst s0  }
0x9: {  	[smem:$0x3FA8] =	sst s1  }
0xa: {  	[smem:$0x3FA9] =	sst s2  }
0xb: {  	[smem:$0x3FAA] =	sst s3  }
0xc: {  	[smem:$0x3FAB] =	sst s4  }
0xd: {  	[smem:$0x3FAC] =	sst s5  }
0xe: {  	[smem:$0x3FAD] =	sst s6  }
0xf: {  	[smem:$0x3FAE] =	sst s7  }
0x10: {  	[smem:$0x3FAF] =	sst s8  }
0x11: {  	[smem:$0x3FB0] =	sst s9;
	s0 =	simm.s32 @!p0 $0x0  }
0x12: {  	s1 =	sld [smem:$0x3F96];
	s0 =	simm.s32 @p0 $0x1  }
0x13: {  	[smem:$0x3FB1] =	sst s0;
	s0 =	simm.s32 @!p1 $0x0  }
0x14: {  	s2 =	sld [smem:$0x3F95];
	s0 =	simm.s32 @p1 $0x1  }
0x15: {  	[smem:$0x3FB2] =	sst s0;
	s0 =	simm.s32 @!p2 $0x0  }
0x16: {  	s3 =	sld [smem:$0x3FDB];
	s0 =	simm.s32 @p2 $0x1  }
0x17: {  	s4 =	simm.s32 $0x1BF5;
	[smem:$0x3FB4] =	sst s0  }
0x18: {  	s0 =	sld [smem:$0x3F97];
	_ =	swait.ge [sflag:s4], $0x0  }
0x19: {  	s7 =	sld [smem:$0x3F98]  }
0x1a: {  	s8 =	sadd.s32 $0xFFFFE003, lr  }
0x1b: {  	s9 =	sadd.s32 $0xFFFFFEF7, lr;
	s5 =	simm.s32 $0xFFFFFFFF;
	p2 =	slt.u32 s8, $0xFFFFF086  }
0x1c: {  	p1 =	slt.u32 s9, $0xF7A;
	s5 =	simm.s32 @!p2 $0x0  }
0x1d: {  	s5 =	simm.s32 @p1 $0x1;
	p0 =	seq.s32 s7, s2  }
0x1e: {  	s7 =	smul.u32 @!p0 $0xF7A, s2;
	p2 =	seq.s32 @!p0 s5, $0x0  }
0x1f: {  	s9 =	smul.u32 $0xF7A, s1;
	s8 =	simm.s32 @!p0 $0x1BF5;
	p2 =	por !p2, p0  }
0x20: {  	[sflag:s8] =	ssyncset.s32 @!p0 $0xFFFFF086;
	s6 =	sadd.s32 @!p0 s3, s7;
	s7 =	simm.s32 @!p0 $0x108  }
0x21: {  	s3 =	sadd.s32 s3, s9;
	s6 =	sadd.s32 @!p0 $0x88, s6;
	s7 =	simm.s32 @p2 $0x1082  }
0x22: {  	[simem:s7], [sflag:s8] =	dma.local @!p0 [hbm:s6], $0xF7A  }
0x23: {  	s9 =	sor.u32 $0xD0000000, s2;
	s6 =	simm.s32 $0x108;
	_ =	swait.ge @!p0 [sflag:s8], $0x0  }
0x24: {  	s3 =	sadd.s32 $0x88, s3;
	s6 =	simm.s32 @!p1 $0x1082;
	[sflag:s4] =	ssyncset.s32 $0xFFFFF086  }
0x25: {  	[simem:s6], [sflag:s4] =	dma.local [hbm:s3], $0xF7A  }
0x26: {  	[smem:$0x3F98] =	sst s1;
	(tag) =	ssettag s2;
	_ =	strace s9  }
0x27: {  	s1 =	sld [smem:$0x3FA8]  }
0x28: {  	s2 =	sld [smem:$0x3FA9]  }
0x29: {  	s4 =	sld [smem:$0x3FAB]  }
0x2a: {  	p0 =	seq.s32 s5, $0x0;
	s5 =	sld [smem:$0x3FAC]  }
0x2b: {  	s6 =	sld [smem:$0x3FAD]  }
0x2c: {  	s7 =	sld [smem:$0x3FAE]  }
0x2d: {  	s3 =	simm.s32 $0x108;
	s8 =	sld [smem:$0x3FAF]  }
0x2e: {  	s3 =	simm.s32 @!p0 $0x1082;
	s9 =	sld [smem:$0x3FB0]  }
0x2f: {  	lr =	sadd.s32 s0, s3;
	s0 =	sld [smem:$0x3FA7]  }
0x30: {  	s3 =	sld [smem:$0x3FAA]  }
0x31: {  	[smem:$0x3FB3] =	sst s10  }
0x32: {  	s10 =	sld [smem:$0x3FB1];
	_ =	sdelay $0x3  }
0x33: {  	p0 =	seq.s32 s10, $0x1;
	s10 =	sld [smem:$0x3FB3];
	_ =	sdelay $0x3  }
0x34: {  	[smem:$0x3FB3] =	sst s10  }
0x35: {  	s10 =	sld [smem:$0x3FB2];
	_ =	sdelay $0x3  }
0x36: {  	p1 =	seq.s32 s10, $0x1;
	s10 =	sld [smem:$0x3FB3];
	_ =	sdelay $0x3  }
0x37: {  	[smem:$0x3FB3] =	sst s10  }
0x38: {  	s10 =	sld [smem:$0x3FB4]  }
0x39: {  	_ = 	snop;
	(pc) =	sbr.ind lr, $3  }
0x3a: {  	_ = 	snop  }
0x3b: {  	_ = 	snop  }
0x3c: {  	p2 =	seq.s32 s10, $0x1;
	s10 =	sld [smem:$0x3FB3]  }
0x3d: {  	_ =	shalt  }
0x3e: {  	_ =	shalt  }
0x3f: {  	_ =	shalt  }
0x40: {  	_ =	shalt  }
0x41: {  	_ =	shalt  }
0x42: {  	_ =	shalt  }
0x43: {  	_ =	shalt  }
0x44: {  	_ =	shalt  }
0x45: {  	_ =	shalt  }
0x46: {  	_ =	shalt  }
0x47: {  	_ =	shalt  }
0x48: {  	_ =	shalt  }
0x49: {  	_ =	shalt  }
0x4a: {  	_ =	shalt  }
0x4b: {  	_ =	shalt  }
0x4c: {  	_ =	shalt  }
0x4d: {  	_ =	shalt  }
0x4e: {  	_ =	shalt  }
0x4f: {  	_ =	shalt  }
0x50: {  	_ =	shalt  }
0x51: {  	_ =	shalt  }
0x52: {  	_ =	shalt  }
0x53: {  	_ =	shalt  }
0x54: {  	_ =	shalt  }
0x55: {  	_ =	shalt  }
0x56: {  	_ =	shalt  }
0x57: {  	_ =	shalt  }
0x58: {  	_ =	shalt  }
0x59: {  	_ =	shalt  }
0x5a: {  	_ =	shalt  }
0x5b: {  	_ =	shalt  }
0x5c: {  	_ =	shalt  }
0x5d: {  	_ =	shalt  }
0x5e: {  	_ =	shalt  }
0x5f: {  	_ =	shalt  }
0x60: {  	_ =	shalt  }
0x61: {  	_ =	shalt  }
0x62: {  	_ =	shalt  }
0x63: {  	_ =	shalt  }
0x64: {  	_ =	shalt  }
0x65: {  	_ =	shalt  }
0x66: {  	_ =	shalt  }
0x67: {  	_ =	shalt  }
0x68: {  	_ =	shalt  }
0x69: {  	_ =	shalt  }
0x6a: {  	_ =	shalt  }
0x6b: {  	_ =	shalt  }
0x6c: {  	_ =	shalt  }
0x6d: {  	_ =	shalt  }
0x6e: {  	_ =	shalt  }
0x6f: {  	_ =	shalt  }
0x70: {  	_ =	shalt  }
0x71: {  	_ =	shalt  }
0x72: {  	_ =	shalt  }
0x73: {  	_ =	shalt  }
0x74: {  	_ =	shalt  }
0x75: {  	_ =	shalt  }
0x76: {  	_ =	shalt  }
0x77: {  	_ =	shalt  }
0x78: {  	_ =	shalt  }
0x79: {  	_ =	shalt  }
0x7a: {  	_ =	shalt  }
0x7b: {  	_ =	shalt  }
0x7c: {  	_ =	shalt  }
0x7d: {  	_ =	shalt  }
0x7e: {  	_ =	shalt  }
0x7f: {  	_ =	shalt  }
0x80: {  	_ =	shalt  }
0x81: {  	_ =	shalt  }
0x82: {  	_ =	shalt  }
0x83: {  	_ =	shalt  }
0x84: {  	_ =	shalt  }
0x85: {  	_ =	shalt  }
0x86: {  	_ =	shalt  }
0x87: {  	_ =	shalt  }
.Lfunc_end0:
.L_simem_size_0:
called_computation.1_lowered:
.L_overlay_start_0:
0x88: {  	s2 =	sld [smem:$0x3FD9]  }
0x89: {  	s3 =	sld [smem:$0x3FFE];
	_ =	sdelay $0x1  }
0x8a: {  	s1 =	srdreg.scid  }
0x8b: {  	s0 =	sand.u32 $0x1, s1  }
0x8c: {  	s15 =	sshll.u32 s0, $0xA;
	s2 =	sadd.s32 s3, s2  }
0x8d: {  	s2 =	sadd.s32 s2, s15  }
0x8e: {  	[smem:$0x3FBF] =	sst s2  }
0x8f: {  	_ = 	snop  }
0x90: {  	s5 =	sld [smem:$0x3FD0]  }
0x91: {  	s2 =	sld [smem:$0x3FC9]  }
0x92: {  	s16 =	sld [smem:$0x3FC7]  }
0x93: {  	s6 =	simm.s32 $0xB;
	s7 =	simm.s32 $0x10;
	s4 =	sld [smem:$0x3FC5]  }
0x94: {  	[smem:s7], [sflag:s6] =	dma.local [hbm:s5], $0x1  }
0x95: {  	_ =	swait.eq [sflag:s6], $0x1  }
0x96: {  	[sflag:s6] =	ssyncset.done $0x0  }
0x97: {  	[sflag:s6] =	ssyncadd.s32 $0xFFFFFFFF  }
0x98: {  	s17 =	sld [smem:$0x11];
	(tm) =	ssettm $0x1  }
0x99: {  	s18 =	sld [smem:$0x3FFB];
	_ =	sdelay $0x3  }
0x9a: {  	_ =	strace s18  }
0x9b: {  	s5 =	sld [smem:$0x3FFC];
	_ =	sdelay $0x3  }
0x9c: {  	_ =	strace s5  }
0x9d: {  	s5 =	sld [smem:$0x3FFD];
	_ =	sdelay $0x3  }
0x9e: {  	_ =	strace s5  }
0x9f: {  	_ =	strace $0x8FFFFFFF  }
0xa0: {  	s19 =	sld [smem:$0x3FDB];
	_ =	sdelay $0x1  }
0xa1: {  	s20 =	simm.s32 $_scs_section_size  }
0xa2: {  	s8 =	simm.s32 $_size__tile_overlayer_lowered;
	s9 =	simm.s32 $_tile_overlayer_lowered  }
0xa3: {  	s10 =	simm.s32 $0x1BFF;
	s21 =	sshll.u32 s9, $0x1;
	s7 =	sadd.s32 s20, s19  }
0xa4: {  	s22 =	simm.s32 $0x0;
	s8 =	sshll.u32 s8, $0x1;
	s9 =	sadd.s32 s21, s7  }
0xa5: {  	[timem:s22], [sflag:s10] =	dma.local [hbm:s9], s8  }
0xa6: {  	_ =	swait.ge [sflag:s10], s8  }
0xa7: {  	s8 =	ssub.s32 $0x0, s8;
	[sflag:s10] =	ssyncset.done $0x0  }
0xa8: {  	[sflag:s10] =	ssyncadd.s32 s8;
	_ =	sdelay $0x1  }
0xa9: {  	s23 =	simm.s32 $0x1B8B  }
0xaa: {  	_ =	swait.ge [sflag:s23], $0x1  }
0xab: {  	[sflag:s23] =	ssyncset.done $0x0  }
0xac: {  	[sflag:s23] =	ssyncadd.s32 $0xFFFFFFFF  }
0xad: {  	s8 =	sld [smem:$0x0]  }
0xae: {  	s9 =	sand.u32 $0xFFFFFFFE, s1  }
0xaf: {  	p0 =	sne.s32 s1, s9  }
0xb0: {  	s9 =	sshll.u32 @p0 s9, $0xE  }
0xb1: {  	s9 =	sadd.s32 @p0 $0x11B8D, s9;
	s10 =	sshll.u32 @p0 s8, $0x11  }
0xb2: {  	s9 =	sor.u32 @p0 s10, s9  }
0xb3: {  	[sflag:s9] =	ssyncadd.remote.s32 @p0 $0x1;
	_ =	sdelay $0x1  }
0xb4: {  	s9 =	simm.s32 @p0 $0x1B8D  }
0xb5: {  	_ =	swait.eq @p0 [sflag:s9], $0x1  }
0xb6: {  	[sflag:s9] =	ssyncadd.s32 @p0 $0xFFFFFFFF  }
0xb7: {  	s10 =	sshll.u32 @!p0 s1, $0xE  }
0xb8: {  	s10 =	sor.u32 @!p0 $0x4000, s10;
	s9 =	simm.s32 @!p0 $0x1B8D  }
0xb9: {  	s8 =	sshll.u32 @!p0 s8, $0x11;
	s10 =	sadd.s32 @!p0 $0x11B8D, s10;
	_ =	swait.eq @!p0 [sflag:s9], $0x1  }
0xba: {  	s8 =	sor.u32 @!p0 s8, s10;
	[sflag:s9] =	ssyncadd.s32 @!p0 $0xFFFFFFFF  }
0xbb: {  	s25 =	simm.s32 $0x1B8E;
	s24 =	sld [smem:$0x3FFE];
	[sflag:s8] =	ssyncadd.remote.s32 @!p0 $0x1  }
0xbc: {  	s26 =	simm.s32 $execute0_lowered;
	[smem:$0x3FD2] =	sst s25  }
0xbd: {  	s9 =	sshll.u32 s26, $0x1;
	_ =	strace $0x80000049;
	[dreg:$0x1] =	wrdreg $0xFFFFFFFF  }
0xbe: {  	s28 =	simm.s32 $_size_execute0_lowered;
	s7 =	sadd.s32 s7, s9;
	[dreg:$0x0] =	wrdreg $0x0  }
0xbf: {  	s9 =	sshll.u32 s28, $0x1;
	[dreg:$0x2] =	wrdreg s7  }
0xc0: {  	[dreg:$0x3] =	wrdreg s9  }
0xc1: {  	[dreg:$0x4] =	wrdreg $0xC0  }
0xc2: {  	_ =	task [dreg:s22], $0x5FFFF  }
0xc3: {  	[dreg:$0x1] =	wrdreg $0xFFFFFFFF  }
0xc4: {  	[dreg:$0x0] =	wrdreg $0x60  }
0xc5: {  	[dreg:$0x2] =	wrdreg s2  }
0xc6: {  	[dreg:$0x3] =	wrdreg s16  }
0xc7: {  	[dreg:$0x4] =	wrdreg s4  }
0xc8: {  	[dreg:$0x5] =	wrdreg s24  }
0xc9: {  	[dreg:$0x6] =	wrdreg s17  }
0xca: {  	[dreg:$0x7] =	wrdreg $0xA  }
0xcb: {  	_ =	task.clear_ibuf [dreg:s22], $0x8FFFF;
	_ =	strace $0x90000049  }
0xcc: {  	s29 =	simm.s32 $0xA;
	_ =	strace $0x8000004B  }
0xcd: {  	_ =	swait.ge [sflag:s29], $0x1  }
0xce: {  	[sflag:s29] =	ssyncadd.s32 $0xFFFFFFFF  }
0xcf: {  	_ =	strace $0x9000004B  }
0xd0: {  	_ =	sfence  }
0xd1: {  	s30 =	sld [smem:$0x0];
	_ =	sdelay $0x2  }
0xd2: {  	s31 =	sshll.u32 s1, $0xD;
	s1 =	sshrl.u32 s1, $0x2  }
0xd3: {  	s3 =	sand.u32 $0x4000, s31;
	s1 =	sadd.s32 s1, s30  }
0xd4: {  	s0 =	sor.u32 s3, s0;
	s1 =	sshll.u32 s1, $0x11  }
0xd5: {  	s0 =	sor.u32 s1, s0  }
0xd6: {  	s0 =	sadd.s32 $0x8F2B, s0  }
0xd7: {  	[sflag:s0] =	ssyncadd.remote.s32 $0x1  }
0xd8: {  	_ =	sfence.sel $0xFFFF  }
0xd9: {  	[dreg:$0x0] =	wrdreg $0xFFFFFFFF;
	(pc) =	sbr.abs _section_cstart, $3  }
0xda: {  	[dreg:$0x1] =	wrdreg $0xFFFFFFFF  }
0xdb: {  	_ =	task.clear_ibuf [dreg:s22], $0x2FFFF;
	_ =	strace $0x9FFFFFFF  }
0xdc: {  	(tm) =	ssettm $0x7FFFFFFF  }
0xdd: {  	_ =	shalt  }
tec
execute0_lowered:
.L_overlay_start_1:
0x0: {  	(tag) =	ssettag $0x1  }
0x1: {  	s3 =	srdreg.scid;
	s1 =	stileid.u32  }
0x2: {  	s7 =	sand.u32 $0x1, s3;
	s5 =	sshll.u32 s1, $0x1  }
0x3: {  	s0 =	rddreg [dreg:$0x0];
	s9 =	sor.u32 s7, s5  }
0x4: {  	s2 =	rddreg [dreg:$0x1];
	p0 =	sgt.u32 s9, $0x18  }
.Ltmp0:
0x5: {  	s10 =	rddreg [dreg:$0x2];
	(pc) =	sbr.rel @p0 .LBB2_15-.Ltmp0, $4  }
0x6: {  	s6 =	rddreg [dreg:$0x3]  }
0x7: {  	s8 =	rddreg [dreg:$0x4];
	s4 =	simm.s32 $0x0  }
0x8: {  	[smem:$0x7FF] =	sst s4  }
0x9: {  	s3 =	rddreg [dreg:$0x5];
	_ =	strace $0x8000004A  }
0xa: {  	s5 =	smul.u32 $0xFA0, s9;
	s11 =	sshll.u32 s9, $0x9;
	s30 =	sshll.u32 s9, $0x1  }
0xb: {  	s13 =	ssub.s32 $0x2, s7;
	s15 =	simm.s32 $0x8000;
	s16 =	simm.s32 $0x2  }
0xc: {  	s17 =	simm.s32 $0x3;
	s18 =	simm.s32 $0x4;
	s19 =	simm.s32 $0xC000  }
0xd: {  	s20 =	simm.s32 $0x9000;
	s21 =	simm.s32 $0xA000;
	s22 =	simm.s32 $0x0  }
.Ltmp1:
0xe: {  	s11 =	sadd.s32 s11, s6;
	s9 =	sadd.s32 s30, s6;
	(pc) =	sbr.rel .LBB2_2-.Ltmp1, $4  }
0xf: {  	s14 =	sshrl.u32 s13, $0x1;
	s12 =	sshrl.u32 s5, $0x3;
	s7 =	sadd.s32 $0x48C00, s9  }
0x10: {  	s9 =	sadd.s32 $0x45A00, s11;
	s31 =	ssub.s32 s13, s14;
	s13 =	simm.s32 $0xB000  }
0x11: {  	v1 =	vimm.s32 $0xFFFFFFFF;
	s14 =	simm.s32 $0x1;
	s6 =	sadd.s32 s8, s12;
	s8 =	sadd.s32 $0x42800, s11  }
0x12: {  	v2 =	vlaneseq.u32;
	v3 =	vimm.s32 $0x0;
	v0 =	vmov s5;
	s10 =	sadd.s32 s10, s12;
	s11 =	smax.u32 s31, $0x1;
	s12 =	simm.s32 $0x4000  }
.LBB2_13:
0x13: {  	[tilespmem:s25+$0x0] =	vst v7  }
.LBB2_14:
0x14: {  	[tilespmem:$0xC000] =	vst v4  }
0x15: {  	[hbm4b:s7+s4] =	stream.linear.scatter [tilespmem:s19], [sflag:$0x4], $0x10, $0x38;
	[tilespmem:$0xC080] =	vst v63  }
0x16: {  	_ =	swait.ge [sflag:s18], $0x10  }
0x17: {  	[sflag:s18] =	ssyncset.done $0x0  }
0x18: {  	[sflag:s18] =	ssyncadd.s32 $0xFFFFFFF0  }
0x19: {  	[hbm4b:s8+s4] =	stream.linear.scatter [tilespmem:s20], [sflag:$0x4], $0x1000, $0x38;
	[tilespmem:$0xC080] =	vst v63  }
0x1a: {  	s22 =	sadd.s32 $0x1, s22;
	_ =	swait.ge [sflag:s18], $0x1000  }
0x1b: {  	p0 =	sne.s32 s22, s11;
	[sflag:s18] =	ssyncset.done $0x0  }
.Ltmp2:
0x1c: {  	[sflag:s18] =	ssyncadd.s32 $0xFFFFF000;
	(pc) =	sbr.rel @!p0 .LBB2_15-.Ltmp2, $4  }
0x1d: {  	[hbm4b:s9+s4] =	stream.linear.scatter [tilespmem:s21], [sflag:$0x4], $0x1000, $0x38;
	[tilespmem:$0xC080] =	vst v63  }
0x1e: {  	_ =	swait.ge [sflag:s18], $0x1000  }
0x1f: {  	[sflag:s18] =	ssyncset.done $0x0  }
0x20: {  	[sflag:s18] =	ssyncadd.s32 $0xFFFFF000  }
.LBB2_2:
0x21: {  	s23 =	simm.s32 $0x0  }
0x22: {  	[tilespmem:s23], [sflag:$0x1] =	stream.linear.gather [hbm4b:s0+s23], $0x4000, $0x38;
	[tilespmem:$0xC080] =	vst v63  }
0x23: {  	_ = 	snop  }
0x24: {  	[tilespmem:s12], [sflag:$0x2] =	stream.linear.gather [hbm4b:s2+s23], $0x4000, $0x38;
	[tilespmem:$0xC080] =	vst v63  }
0x25: {  	_ = 	snop  }
0x26: {  	[tilespmem:s13], [sflag:$0x3] =	stream.linear.gather [hbm4b:s10+s23], $0xFA0, $0x38;
	[tilespmem:$0xC080] =	vst v63  }
0x27: {  	_ =	swait.ge [sflag:s14], $0x4000  }
0x28: {  	[sflag:s14] =	ssyncset.done $0x0  }
0x29: {  	s24 =	simm.s32 $0x40;
	s25 =	simm.s32 $0x0;
	[sflag:s14] =	ssyncadd.s32 $0xFFFFC000  }
.LBB2_3:
0x2a: {  	p0 =	sne.s32 s24, $0x3E40;
	[tilespmem:s25+$0x8000] =	vst v1;
	s25 =	smov.u32 s24;
	s24 =	sadd.s32 $0x40, s24  }
.Ltmp3:
0x2b: {  	(pc) =	sbr.rel @p0 .LBB2_3-.Ltmp3, $2  }
0x2c: {  	_ =	sdelay $0x2  }
0x2d: {  	s25 =	sshra.s32 s25, $0x2  }
0x2e: {  	[tilespmem:s25+$0x8000] =	vst v1;
	s24 =	simm.s32 $0x0  }
.LBB2_5:
0x2f: {  	v4 =	vld [tilespmem:s23+$0x0];
	_ =	sdelay $0x4  }
0x30: {  	(xrf1) =	vunique.msk.u32 $0xffff, v4;
	_ =	sdelay $0xc  }
0x31: {  	v4 =	vsub.s32 v4, v0  }
0x32: {  	vm1 =	vlt.u32 v4, $0xFA0;
	vm2 =	vgt.s32 v4, $0x0;
	_, v5, vm0 =	vpop (xrf1)  }
0x33: {  	v4 =	vnsel vm2, $0x0, v4;
	vm0 =	vmand vm0, vm1  }
0x34: {  	p0 =	sne.s32 s24, $0x3FF0;
	v4 =	vmin.u32 v4, $0xF9F  }
.Ltmp4:
0x35: {  	_ = 	snop;
	(pc) =	sbr.rel @p0 .LBB2_5-.Ltmp4, $3  }
0x36: {  	_ =	sdelay $0x1  }
0x37: {  	v5 =	vor.u32 s24, v2  }
0x38: {  	s23 =	sadd.s32 $0x10, s23;
	s24 =	sadd.s32 $0x10, s24;
	[tilespmem:v4+s15+$0x0] =	vst.idx.msk vm0, v5  }
0x39: {  	s23 =	simm.s32 $0x0  }
0x3a: {  	v4 =	vld [tilespmem:s23+$0x8000];
	_ =	sdelay $0x4  }
0x3b: {  	vm0 =	vgt.s32 v4, $0xFFFFFFFF  }
0x3c: {  	v5 =	vmpcnt.ones.xlane vm0;
	_ =	sdelay $0x1  }
0x3d: {  	v5 =	vxor.u32 $0x80000000, v5  }
0x3e: {  	(xrf0) =	vmax.scan.msk.u32 $0xffff, v5;
	_ =	sdelay $0x5  }
0x3f: {  	s23 =	simm.s32 $0x0;
	v5 =	vor.u32 s5, v2;
	v6, _, _ =	vpop (xrf0)  }
0x40: {  	[tilespmem:s23+$0x9000] =	vst.msk vm0, v5;
	(v2sf) =	vpush v6, $0xF  }
0x41: {  	s26 =	simm.s32 $0x10;
	s25 =	simm.s32 $0x80;
	s24 =	smov.u32 s5;
	[tilespmem:s23+$0xA000] =	vst.msk vm0, v4  }
.LBB2_7:
0x42: {  	p0 =	sne.s32 s25, $0x3E40;
	v4 =	vld [tilespmem:s26+$0x8000];
	_ =	sdelay $0x4  }
0x43: {  	vm0 =	vgt.s32 v4, $0xFFFFFFFF  }
0x44: {  	v5 =	vmpcnt.ones.xlane vm0;
	_ =	sdelay $0x1  }
0x45: {  	v5 =	vxor.u32 $0x80000000, v5  }
0x46: {  	(xrf0) =	vmax.scan.msk.u32 $0xffff, v5;
	_ =	sdelay $0x3  }
.Ltmp5:
0x47: {  	s26 =	spop (v2sf);
	(pc) =	sbr.rel @p0 .LBB2_7-.Ltmp5, $4  }
0x48: {  	s24 =	sadd.s32 $0x10, s24;
	s23 =	sadd.s32 s26, s23  }
0x49: {  	v5 =	vor.u32 s24, v2;
	v6, _, _ =	vpop (xrf0);
	s23 =	sadd.s32 $0x80000000, s23  }
0x4a: {  	[tilespmem:s23+$0x9000] =	vst.msk vm0, v5;
	(v2sf) =	vpush v6, $0xF  }
0x4b: {  	s26 =	sshra.s32 s25, $0x2;
	s25 =	sadd.s32 $0x40, s25;
	[tilespmem:s23+$0xA000] =	vst.msk vm0, v4  }
0x4c: {  	v4 =	vld [tilespmem:s26+$0x8000];
	_ =	sdelay $0x4  }
0x4d: {  	vm0 =	vgt.s32 v4, $0xFFFFFFFF  }
0x4e: {  	v5 =	vmpcnt.ones.xlane vm0;
	_ =	sdelay $0x1  }
0x4f: {  	v5 =	vxor.u32 $0x80000000, v5  }
0x50: {  	(xrf0) =	vmax.scan.msk.u32 $0xffff, v5;
	_ =	sdelay $0x5  }
0x51: {  	v5, _, _ =	vpop (xrf0)  }
0x52: {  	(v2sf) =	vpush v5, $0xF;
	_ =	sdelay $0xa  }
0x53: {  	s25 =	spop (v2sf)  }
0x54: {  	s24 =	sadd.s32 $0x10, s24;
	s23 =	sadd.s32 s25, s23  }
0x55: {  	s23 =	sadd.s32 $0x80000000, s23;
	v5 =	vor.u32 s24, v2  }
0x56: {  	[tilespmem:s23+$0x9000] =	vst.msk vm0, v5  }
0x57: {  	[tilespmem:s23+$0xA000] =	vst.msk vm0, v4;
	s31 =	spop (v2sf)  }
0x58: {  	_ =	swait.ge [sflag:s16], $0x4000  }
0x59: {  	[sflag:s16] =	ssyncset.done $0x0  }
0x5a: {  	[sflag:s16] =	ssyncadd.s32 $0xFFFFC000  }
0x5b: {  	_ =	swait.ge [sflag:s17], $0xFA0  }
0x5c: {  	[sflag:s17] =	ssyncset.done $0x0  }
0x5d: {  	s25 =	simm.s32 $0x0;
	[sflag:s17] =	ssyncadd.s32 $0xFFFFF060  }
0x5e: {  	v4 =	vld [tilespmem:s25+$0x8000];
	_ =	sdelay $0x4  }
0x5f: {  	vm0 =	vlt.s32 v4, $0x0  }
0x60: {  	s24 =	simm.s32 $0x10;
	v4 =	vsel vm0, $0x0, v4  }
0x61: {  	v5 =	vld [tilespmem:s24+$0x8000];
	_ =	sdelay $0x2  }
0x62: {  	v6 =	vld [tilespmem:s25+$0xB000]  }
0x63: {  	v4 =	vld.idx.msk [tilespmem:v4+s12+$0x0], $0xffff  }
0x64: {  	vm1 =	vlt.s32 v5, $0x0  }
0x65: {  	s23 =	sadd.s32 s31, s23;
	v5 =	vsel vm1, $0x0, v5  }
0x66: {  	s26 =	simm.s32 $0x20;
	s28 =	simm.s32 $0xC0;
	s23 =	sadd.s32 $0x80000000, s23;
	vm0 =	vmmov vm0  }
.LBB2_9:
0x67: {  	p0 =	sne.s32 s28, $0x3E40;
	v7 =	vld [tilespmem:s26+$0x8000]  }
0x68: {  	v4 =	vsel vm0, v6, v4;
	vm0 =	vmmov vm1  }
0x69: {  	[tilespmem:s25+$0xB000] =	vst v4;
	s25 =	smov.u32 s24;
	s24 =	smov.u32 s26  }
.Ltmp6:
0x6a: {  	v4 =	vld.idx.msk [tilespmem:v5+s12+$0x0], $0xffff;
	(pc) =	sbr.rel @p0 .LBB2_9-.Ltmp6, $4  }
0x6b: {  	v6 =	vld [tilespmem:s25+$0xB000]  }
0x6c: {  	vm1 =	vlt.s32 v7, $0x0  }
0x6d: {  	v5 =	vsel vm1, $0x0, v7  }
0x6e: {  	s26 =	sshra.s32 s28, $0x2;
	s28 =	sadd.s32 $0x40, s28  }
0x6f: {  	_ =	sdelay $0x1  }
0x70: {  	v7 =	vld [tilespmem:s26+$0x8000];
	v4 =	vsel vm0, v6, v4  }
0x71: {  	[tilespmem:s25+$0xB000] =	vst v4  }
0x72: {  	v4 =	vld.idx.msk [tilespmem:v5+s12+$0x0], $0xffff  }
0x73: {  	v5 =	vld [tilespmem:s24+$0xB000];
	_ =	sdelay $0x1  }
0x74: {  	vm15 =	vlt.s32 v7, $0x0  }
0x75: {  	v6 =	vsel vm15, $0x0, v7  }
0x76: {  	vm1 =	vmmov vm1  }
0x77: {  	v4 =	vsel vm1, v5, v4  }
0x78: {  	[tilespmem:s24+$0xB000] =	vst v4  }
0x79: {  	s29 =	sadd.s32 $0x1FF, s23;
	v5 =	vld [tilespmem:s26+$0xB000]  }
0x7a: {  	p6 =	slt.s32 s23, $0x1;
	s30 =	sand.u32 $0x1FF, s29;
	s31 =	sshra.s32 s29, $0x1F;
	v4 =	vld.idx.msk [tilespmem:v6+s12+$0x0], $0xffff  }
0x7b: {  	p0 =	slt.s32 s29, $0x1;
	p1 =	sne.s32 s30, $0x0;
	s28 =	sshrl.u32 s31, $0x17  }
0x7c: {  	s25 =	simm.s32 $0x1;
	s30 =	sshra.s32 s23, $0x1F;
	p0 =	por !p0, !p1  }
0x7d: {  	p0 =	por !p0, !p0;
	s24 =	sadd.s32 s28, s29;
	s29 =	sand.u32 $0xF, s23  }
0x7e: {  	s25 =	simm.s32 @!p0 $0x0;
	vm0 =	vmmov vm15;
	s24 =	sshrl.u32 s24, $0x9;
	p5 =	sne.s32 s29, $0x0  }
0x7f: {  	s31 =	sshrl.u32 s30, $0x1C;
	s24 =	ssub.s32 s24, s25;
	p0 =	por !p6, !p5;
	v4 =	vsel vm0, v5, v4  }
0x80: {  	s25 =	sadd.s32 s31, s23;
	p0 =	por !p0, !p0;
	[tilespmem:s26+$0xB000] =	vst v4;
	s26 =	simm.s32 $0x1  }
0x81: {  	s24 =	sshll.u32 s24, $0x9;
	s25 =	sshra.s32 s25, $0x4;
	s26 =	simm.s32 @!p0 $0x0  }
0x82: {  	s24 =	sshra.s32 s24, $0x4;
	s26 =	ssub.s32 s25, s26  }
0x83: {  	p0 =	sge.s32 s26, s24  }
.Ltmp7:
0x84: {  	_ = 	snop;
	(pc) =	sbr.rel @p0 .LBB2_14-.Ltmp7, $4  }
0x85: {  	[hbm4b:s6+s4] =	stream.linear.scatter [tilespmem:s13], [sflag:$0x4], $0xFA0, $0x38;
	[tilespmem:$0xC080] =	vst v63  }
0x86: {  	_ =	swait.ge [sflag:s18], $0xFA0  }
0x87: {  	[sflag:s18] =	ssyncset.done $0x0  }
0x88: {  	v4 =	vmov s23;
	[sflag:s18] =	ssyncadd.s32 $0xFFFFF060  }
0x89: {  	s23 =	sshll.u32 s26, $0x6  }
0x8a: {  	v5 =	vld [tilespmem:$0x9000];
	s25 =	sshra.s32 s23, $0x2  }
0x8b: {  	s23 =	sadd.s32 $0x9000, s25  }
0x8c: {  	v6 =	vld [tilespmem:s23+$0x0];
	_ =	sdelay $0x1  }
0x8d: {  	s28 =	sshll.u32 s26, $0x4  }
0x8e: {  	v7 =	vor.u32 s28, v2;
	v5 =	vperm.xlane v5, v3  }
0x8f: {  	vm0 =	vlt.s32 v7, v4  }
0x90: {  	v7 =	vld [tilespmem:$0xA000];
	v6 =	vsel vm0, v6, v5  }
0x91: {  	s26 =	sadd.s32 $0x1, s26;
	s25 =	sadd.s32 $0xA000, s25;
	[tilespmem:s23+$0x0] =	vst v6  }
0x92: {  	p0 =	slt.s32 s26, s24;
	v8 =	vld [tilespmem:s25+$0x0]  }
.Ltmp8:
0x93: {  	_ = 	snop;
	(pc) =	sbr.rel @!p0 .LBB2_13-.Ltmp8, $3  }
0x94: {  	_ = 	snop  }
0x95: {  	v6 =	vperm.xlane v7, v3;
	_ =	sdelay $0x1  }
0x96: {  	s28 =	sadd.s32 $0x10, s28;
	v7 =	vsel vm0, v8, v6  }
.LBB2_12:
0x97: {  	s26 =	sadd.s32 $0x1, s26;
	[tilespmem:s25+$0x0] =	vst v7;
	s23 =	sadd.s32 $0x10, s23;
	s25 =	sadd.s32 $0x10, s25  }
0x98: {  	v7 =	vld [tilespmem:s23+$0x0];
	p0 =	slt.s32 s26, s24;
	_ =	sdelay $0x2  }
0x99: {  	v8 =	vor.u32 s28, v2  }
0x9a: {  	vm0 =	vlt.s32 v8, v4  }
0x9b: {  	v7 =	vsel vm0, v7, v5  }
0x9c: {  	[tilespmem:s23+$0x0] =	vst v7  }
0x9d: {  	v7 =	vld [tilespmem:s25+$0x0]  }
.Ltmp9:
0x9e: {  	(pc) =	sbr.rel @p0 .LBB2_12-.Ltmp9, $2  }
0x9f: {  	_ =	sdelay $0x2  }
0xa0: {  	s28 =	sadd.s32 $0x10, s28;
	v7 =	vsel vm0, v7, v6  }
.Ltmp10:
0xa1: {  	_ = 	snop;
	(pc) =	sbr.rel .LBB2_13-.Ltmp10, $1  }
0xa2: {  	_ =	sdelay $0x3  }
.LBB2_15:
0xa3: {  	_ =	sfence.sel $0x180000  }
0xa4: {  	[bflag:$0x0] =	sbarrier.arrive $0xFFFF  }
0xa5: {  	p0 =	sne.s32 s1, $0x0;
	_ =	strace $0x9000004A  }
0xa6: {  	s0 =	sadd.s32 @!p0 $0x100000, s3;
	[bflag:$0x2] =	sbarrier.arrive $0xFFFF  }
0xa7: {  	[sflag:s0] =	ssyncadd.tile.s32 @!p0 $0x1;
	_ =	shalt  }
.Lfunc_end2:
_tile_overlayer_lowered:
.L_overlay_start_2:
0xa8: {  	(tag) =	ssettag $0x2  }
0xa9: {  	s0 =	rddreg [dreg:$0x0];
	s2 =	stileid.u32  }
0xaa: {  	s1 =	rddreg [dreg:$0x1];
	p0 =	sne.s32 s2, $0x0  }
0xab: {  	s3 =	rddreg [dreg:$0x2];
	[bflag:$0x3] =	sbarrier.arrive $0xFFFF;
	s2 =	simm.s32 @!p0 $0x1C04  }
0xac: {  	[timem:s3], [sflag:s2] =	dma.local @!p0 [hbm:s0], s1  }
0xad: {  	s0 =	simm.s32 @!p0 $0x4  }
0xae: {  	_ =	swait.ge @!p0 [sflag:s0], s1  }
0xaf: {  	s1 =	ssub.s32 @!p0 $0x0, s1;
	[sflag:s0] =	ssyncset.done @!p0 $0x0  }
0xb0: {  	[sflag:s0] =	ssyncadd.s32 @!p0 s1  }
0xb1: {  	[bflag:$0x3] =	sbarrier.arrive $0xFFFF  }
0xb2: {  	_ =	shalt  }

</sc_bundles>
